<compile_context>
chip_gen: v7x
topology: tpu7x:2x2x1
jax: 0.10.2.dev20260603
libtpu: 0.0.44.dev20260713+nightly
codegen_flags: <defaults>
</compile_context>

<pallas_src>
import jax
import jax.numpy as jnp
from jax import lax
from jax.experimental import pallas as pl
from jax.experimental.pallas import tpu as pltpu
import jax.experimental.pallas.tpu_sc as plsc

NC = 2
NS = 16
CHUNK = 80
BS = 1024
NP = 10240
D = 128

_MESH = plsc.VectorSubcoreMesh(core_axis_name="c", subcore_axis_name="s")
_HIGH = lax.Precision.HIGHEST


def _dot(a, b):
    return jax.lax.dot(a, b, precision=_HIGH, preferred_element_type=jnp.float32)



def _deg_body(col_hbm, hist_hbm, hist_v, idx_v):
    c = lax.axis_index("c")
    s = lax.axis_index("s")
    wid = c * NS + s
    z16 = jnp.zeros((16,), jnp.float32)

    @pl.loop(0, NP // 16)
    def _(i):
        hist_v[pl.ds(i * 16, 16)] = z16

    e = col_hbm.shape[0]
    per_tile = e // (NC * NS)
    pltpu.sync_copy(col_hbm.at[pl.ds(wid * per_tile, per_tile)], idx_v)
    ones16 = jnp.ones((16,), jnp.float32)

    @pl.loop(0, per_tile // 16)
    def _(k):
        iv = idx_v[pl.ds(k * 16, 16)]
        plsc.addupdate_scatter(hist_v, [iv], ones16)

    pltpu.sync_copy(hist_v, hist_hbm.at[wid])


def _deg_call(col):
    e = col.shape[0]
    return pl.kernel(
        _deg_body,
        out_type=jax.ShapeDtypeStruct((NC * NS, NP), jnp.float32),
        mesh=_MESH,
        scratch_types=(
            pltpu.VMEM((NP,), jnp.float32),
            pltpu.VMEM((e // (NC * NS),), jnp.int32),
        ),
        compiler_params=pltpu.CompilerParams(needs_layout_passes=False),
    )(col)


PHE = 10000


def _accum_edges(u_hbm, row_hbm, col_hbm, table, idx_r, idx_c,
                 buf0, buf1, g0, g1, rbase0, cbase0, n_edges):
    for ph in range(n_edges // PHE):
        _accum_phase(u_hbm, row_hbm, col_hbm, table, idx_r, idx_c,
                     buf0, buf1, g0, g1,
                     rbase0 + ph * PHE, cbase0 + ph * PHE, PHE)


def _accum_phase(u_hbm, row_hbm, col_hbm, table, idx_r, idx_c,
                 buf0, buf1, g0, g1, rbase0, cbase0, n_edges):
    nch = n_edges // CHUNK
    pltpu.sync_copy(row_hbm.at[pl.ds(rbase0, n_edges)], idx_r)
    pltpu.sync_copy(col_hbm.at[pl.ds(cbase0, n_edges)], idx_c)

    def gstart(j, buf, sem):
        pltpu.async_copy(u_hbm.at[idx_r.at[pl.ds(j * CHUNK, CHUNK)]], buf, sem)

    def gwait(buf, sem):
        pltpu.make_async_copy(u_hbm.at[pl.ds(0, CHUNK)], buf, sem).wait()

    def scatter(j, buf):
        pltpu.sync_copy(buf, table.at[idx_c.at[pl.ds(j * CHUNK, CHUNK)]],
                        add=True)

    gstart(0, buf0, g0)

    @pl.loop(0, nch // 2)
    def _(p):
        j = 2 * p
        gstart(j + 1, buf1, g1)
        gwait(buf0, g0)
        scatter(j, buf0)

        @pl.when(j + 2 < nch)
        def _():
            gstart(j + 2, buf0, g0)

        gwait(buf1, g1)
        scatter(j + 1, buf1)

    if nch % 2:
        gwait(buf0, g0)
        scatter(nch - 1, buf0)


def _agg_dual_body(u2_hbm, row2_hbm, col_hbm, zeros_hbm, s2_hbm,
                   table, idx_r, idx_c, buf0, buf1, g0, g1):
    c = lax.axis_index("c")
    s = lax.axis_index("s")
    rpt = NP // NS
    pltpu.sync_copy(zeros_hbm.at[pl.ds(s * rpt, rpt)],
                    table.at[pl.ds(s * rpt, rpt)])
    plsc.subcore_barrier()
    e = col_hbm.shape[0]
    per_tile = e // NS
    _accum_edges(u2_hbm, row2_hbm, col_hbm, table, idx_r, idx_c,
                 buf0, buf1, g0, g1,
                 c * e + s * per_tile, s * per_tile, per_tile)
    plsc.subcore_barrier()
    pltpu.sync_copy(table.at[pl.ds(s * rpt, rpt)],
                    s2_hbm.at[pl.ds(c * NP + s * rpt, rpt)])


def _agg_split_body(u_hbm, row_hbm, col_hbm, zeros_hbm, s2_hbm,
                    table, idx_r, idx_c, buf0, buf1, g0, g1):
    c = lax.axis_index("c")
    s = lax.axis_index("s")
    rpt = NP // NS
    pltpu.sync_copy(zeros_hbm.at[pl.ds(s * rpt, rpt)],
                    table.at[pl.ds(s * rpt, rpt)])
    plsc.subcore_barrier()
    e = col_hbm.shape[0]
    per_tile = e // (NC * NS)
    base0 = (c * NS + s) * per_tile
    _accum_edges(u_hbm, row_hbm, col_hbm, table, idx_r, idx_c,
                 buf0, buf1, g0, g1, base0, base0, per_tile)
    plsc.subcore_barrier()
    pltpu.sync_copy(table.at[pl.ds(s * rpt, rpt)],
                    s2_hbm.at[pl.ds(c * NP + s * rpt, rpt)])


def _agg_scratch():
    return (
        pltpu.VMEM_SHARED((NP, D), jnp.float32),
        pltpu.VMEM((PHE,), jnp.int32),
        pltpu.VMEM((PHE,), jnp.int32),
        pltpu.VMEM((CHUNK, D), jnp.float32),
        pltpu.VMEM((CHUNK, D), jnp.float32),
        pltpu.SemaphoreType.DMA,
        pltpu.SemaphoreType.DMA,
    )


_S2 = jax.ShapeDtypeStruct((NC * NP, D), jnp.float32)


def _agg_dual_call(u2, row2, col, zeros_nd):
    return pl.kernel(_agg_dual_body, out_type=_S2, mesh=_MESH,
                     scratch_types=_agg_scratch())(u2, row2, col, zeros_nd)


def _agg_split_call(u, row, col, zeros_nd):
    return pl.kernel(_agg_split_body, out_type=_S2, mesh=_MESH,
                     scratch_types=_agg_scratch())(u, row, col, zeros_nd)



def _row_spec(width=D):
    return pl.BlockSpec((BS, width), lambda i: (i, 0))


def _hi_spec():
    return pl.BlockSpec((BS, D), lambda i: (NP // BS + i, 0))


def _full_spec(shape):
    return pl.BlockSpec(shape, lambda i: tuple(0 for _ in shape))


def _prep_body(hist, lat, cond, wz, wc, dinv_o, uz_o, uc_o):
    deg = jnp.sum(hist[...], axis=0) + 1.0
    d = jax.lax.rsqrt(deg)[:, None]
    dinv_o[...] = d
    uz_o[...] = d * _dot(lat[...], wz[...])
    uc_o[...] = d * _dot(cond[...], wc[...])


def _prep_call(hist, latent, condition, wz, wc):
    n = latent.shape[0]
    return pl.pallas_call(
        _prep_body,
        grid=(NP // BS,),
        in_specs=[pl.BlockSpec((NC * NS, BS), lambda i: (0, i)),
                  _row_spec(), _row_spec(),
                  _full_spec((D, D)), _full_spec((D, D))],
        out_specs=[pl.BlockSpec((BS, 1), lambda i: (i, 0)),
                   _row_spec(), _row_spec()],
        out_shape=[jax.ShapeDtypeStruct((n, 1), jnp.float32),
                   jax.ShapeDtypeStruct((n, D), jnp.float32),
                   jax.ShapeDtypeStruct((n, D), jnp.float32)],
    )(hist, latent, condition, wz, wc)


def _mid_body(sz, sc_, uz, uc, dinv, bz, bc, wh, uh_o):
    d = dinv[...]
    z = jnp.tanh(d * (sz[...] + uz[...]) + bz[...])
    c2 = jnp.tanh(d * (sc_[...] + uc[...]) + bc[...])
    uh_o[...] = d * (_dot(z, wh[0:D, :]) + _dot(c2, wh[D:2 * D, :]))


def _mid_call(s2, uz, uc, dinv, bz, bc, wh):
    n = uz.shape[0]
    return pl.pallas_call(
        _mid_body,
        grid=(NP // BS,),
        in_specs=[_row_spec(), _hi_spec(), _row_spec(), _row_spec(),
                  pl.BlockSpec((BS, 1), lambda i: (i, 0)),
                  _full_spec((1, D)), _full_spec((1, D)),
                  _full_spec((2 * D, D))],
        out_specs=_row_spec(),
        out_shape=jax.ShapeDtypeStruct((uz.shape[0], D), jnp.float32),
    )(s2, s2, uz, uc, dinv, bz, bc, wh)


def _outprep_body(s0, s1, uh, dinv, bh, wo, uo_o):
    d = dinv[...]
    h = jnp.tanh(d * (s0[...] + s1[...] + uh[...]) + bh[...])
    uo_o[...] = d * _dot(h, wo[...])


def _outprep_call(s2, uh, dinv, bh, wo):
    return pl.pallas_call(
        _outprep_body,
        grid=(NP // BS,),
        in_specs=[_row_spec(), _hi_spec(), _row_spec(),
                  pl.BlockSpec((BS, 1), lambda i: (i, 0)),
                  _full_spec((1, D)), _full_spec((D, D))],
        out_specs=_row_spec(),
        out_shape=jax.ShapeDtypeStruct((uh.shape[0], D), jnp.float32),
    )(s2, s2, uh, dinv, bh, wo)


def _final_body(s0, s1, uo, dinv, bo, out_o):
    out_o[...] = dinv[...] * (s0[...] + s1[...] + uo[...]) + bo[...]


def _final_call(s2, uo, dinv, bo):
    return pl.pallas_call(
        _final_body,
        grid=(NP // BS,),
        in_specs=[_row_spec(), _hi_spec(), _row_spec(),
                  pl.BlockSpec((BS, 1), lambda i: (i, 0)),
                  _full_spec((1, D))],
        out_specs=_row_spec(),
        out_shape=jax.ShapeDtypeStruct((uo.shape[0], D), jnp.float32),
    )(s2, s2, uo, dinv, bo)



def kernel(latent, condition, edge_index, W_z2h, b_z2h, W_c2h, b_c2h,
           W_h2h, b_h2h, W_out, b_out):
    n = latent.shape[0]
    row = edge_index[0]
    col = edge_index[1]
    row2 = jnp.concatenate([row, row + n])
    zeros_nd = jnp.zeros((NP, D), jnp.float32)

    hist = _deg_call(col)
    dinv, u_z, u_c = _prep_call(hist, latent, condition, W_z2h, W_c2h)
    u2 = jnp.concatenate([u_z, u_c], axis=0)
    s2a = _agg_dual_call(u2, row2, col, zeros_nd)
    u_h = _mid_call(s2a, u_z, u_c, dinv, b_z2h.reshape(1, D),
                    b_c2h.reshape(1, D), W_h2h)
    s2h = _agg_split_call(u_h, row, col, zeros_nd)
    u_o = _outprep_call(s2h, u_h, dinv, b_h2h.reshape(1, D), W_out)
    s2o = _agg_split_call(u_o, row, col, zeros_nd)
    return _final_call(s2o, u_o, dinv, b_out.reshape(1, D))

# --- scband reference (transcript-rebuilt; emitter-appended) ---
"""Pipeline reference for scband-separate-hidden-gcvaedecoder-16286515987224 (READ-ONLY COPY).

The authoritative reference and input builder live on the scoring server;
editing this copy changes nothing except your own understanding.
"""

import jax, jax.numpy as jnp
import numpy as np

N = 10000
E = 320000
LATENT = 128
COND = 128
HID = 128
OUT = 128


def glorot(key, shape):
    fan_in, fan_out = shape[0], shape[1]
    limit = np.sqrt(6.0 / (fan_in + fan_out))
    return jax.random.uniform(key, shape, dtype=jnp.float32, minval=-limit, maxval=limit)


def gcn_conv(x, edge_index, W, b):
    # Faithful PyG GCNConv with add_self_loops=True:
    #   x' = D^{-1/2} (A + I) D^{-1/2} (x W) + b
    n = x.shape[0]
    x = x @ W
    loop = jnp.arange(n, dtype=edge_index.dtype)
    row = jnp.concatenate([edge_index[0], loop])  # source
    col = jnp.concatenate([edge_index[1], loop])  # target
    ew = jnp.ones(row.shape[0], dtype=x.dtype)
    deg = jnp.zeros(n, dtype=x.dtype).at[col].add(ew)
    dinv = jnp.where(deg > 0, deg ** -0.5, 0.0)
    norm = dinv[row] * dinv[col]
    msg = x[row] * norm[:, None]
    out = jnp.zeros((n, x.shape[1]), dtype=x.dtype).at[col].add(msg)
    return out + b


def setup_inputs(seed: int = 0) -> dict:
    key = jax.random.key(seed)
    ks = jax.random.split(key, 12)
    inp = {}
    inp["latent"] = jax.random.normal(ks[0], (N, LATENT), dtype=jnp.float32)
    inp["condition"] = jax.random.normal(ks[1], (N, COND), dtype=jnp.float32)
    inp["edge_index"] = jax.random.randint(ks[2], (2, E), 0, N, dtype=jnp.int32)
    inp["W_z2h"] = glorot(ks[3], (LATENT, HID))
    inp["b_z2h"] = jnp.zeros((HID,), dtype=jnp.float32)
    inp["W_c2h"] = glorot(ks[4], (COND, HID))
    inp["b_c2h"] = jnp.zeros((HID,), dtype=jnp.float32)
    inp["W_h2h"] = glorot(ks[5], (2 * HID, HID))
    inp["b_h2h"] = jnp.zeros((HID,), dtype=jnp.float32)
    inp["W_out"] = glorot(ks[6], (HID, OUT))
    inp["b_out"] = jnp.zeros((OUT,), dtype=jnp.float32)
    return inp


def reference(latent, condition, edge_index, W_z2h, b_z2h, W_c2h, b_c2h, W_h2h, b_h2h, W_out, b_out):
    z2h = jnp.tanh(gcn_conv(latent, edge_index, W_z2h, b_z2h))
    c2h = jnp.tanh(gcn_conv(condition, edge_index, W_c2h, b_c2h))
    h = jnp.concatenate([z2h, c2h], axis=1)
    h = jnp.tanh(gcn_conv(h, edge_index, W_h2h, b_h2h))
    out = gcn_conv(h, edge_index, W_out, b_out)
    return out

if __name__ == "__main__":
    import jax
    _d = setup_inputs()
    print(jax.jit(kernel)(*tuple(_d.values())))

</pallas_src>

<mosaic_0001>
#map = affine_map<(d0, d1) -> (0)>
#map1 = affine_map<(d0, d1) -> (0, 0)>
module attributes {stable_mosaic.version = 14 : i64} {
  func.func @_deg_body(%arg0: i32, %arg1: i32, %arg2: memref<320000xi32, #tpu.memory_space<hbm>>, %arg3: memref<32x10240xf32, #tpu.memory_space<hbm>>, %arg4: memref<10240xf32, #tpu.memory_space<vmem>>, %arg5: memref<10000xi32, #tpu.memory_space<vmem>>) attributes {dimension_semantics = [#tpu.dimension_semantics<core_parallel>, #tpu.dimension_semantics<subcore_parallel>], iteration_bounds = array<i64: 2, 16>, scalar_prefetch = 0 : i64, scratch_operands = 2 : i64, tpu.core_type = #tpu.core_type<sc_vector_subcore>, window_params = [{transform_indices = #map}, {transform_indices = #map1}]} {
    %mul3A = arith.constant 16 : i32
    %mul3A_0 = arith.muli %arg0, %mul3A : i32
    %add3A = arith.addi %mul3A_0, %arg1 : i32
    %broadcast_in_dim3A = arith.constant 0.000000e+00 : f32
    %broadcast_in_dim3A_1 = vector.broadcast %broadcast_in_dim3A : f32 to vector<16xf32>
    %scan3A = arith.constant 0 : i32
    %scan3A_2 = arith.constant 640 : i32
    %scan3A_3 = arith.addi %scan3A, %scan3A_2 : i32
    %scan3A_4 = arith.constant 1 : i32
    scf.for %scan3A_15 = %scan3A to %scan3A_3 step %scan3A_4  : i32 {
      %mul3A_16 = arith.constant 1 : i32
      %mul3A_17 = arith.muli %scan3A_15, %mul3A_16 : i32
      %add3A_18 = arith.constant 0 : i32
      %add3A_19 = arith.addi %add3A_18, %mul3A_17 : i32
      %mul3A_20 = arith.constant 16 : i32
      %mul3A_21 = arith.muli %add3A_19, %mul3A_20 : i32
      %swap3A = arith.index_cast %mul3A_21 : i32 to index
      %swap3A_22 = tpu.vector_load %arg4[%swap3A] {strides = array<i32>} : memref<10240xf32, #tpu.memory_space<vmem>>, vector<16xf32>,
      tpu.vector_store %arg4[%swap3A], %broadcast_in_dim3A_1 {strides = array<i32>} : memref<10240xf32, #tpu.memory_space<vmem>>, vector<16xf32>,
    }
    %scan3A_5 = arith.constant 640 : i32
    %mul3A_6 = arith.constant 10000 : i32
    %mul3A_7 = arith.muli %add3A, %mul3A_6 : i32
    "tpu.region"() ({
      %run_scoped3A = tpu.sem_alloc : memref<!tpu.dma_semaphore, #tpu.memory_space<semaphore_mem>>
      %dma_start3A = tpu.memref_slice %arg2[%mul3A_7] : memref<320000xi32, #tpu.memory_space<hbm>> -> memref<10000xi32, #tpu.memory_space<hbm>>
      %dma_start3A_15 = tpu.memref_slice %arg2[%mul3A_7] : memref<320000xi32, #tpu.memory_space<hbm>> -> memref<10000xi32, #tpu.memory_space<hbm>>
      tpu.enqueue_dma source(%dma_start3A_15 : memref<10000xi32, #tpu.memory_space<hbm>>) target(%arg5 : memref<10000xi32, #tpu.memory_space<vmem>>) target_semaphore(%run_scoped3A : memref<!tpu.dma_semaphore, #tpu.memory_space<semaphore_mem>>)
      %dma_wait3A = tpu.memref_slice %arg2[%mul3A_7] : memref<320000xi32, #tpu.memory_space<hbm>> -> memref<10000xi32, #tpu.memory_space<hbm>>
      %dma_wait3A_16 = tpu.memref_slice %arg2[%mul3A_7] : memref<320000xi32, #tpu.memory_space<hbm>> -> memref<10000xi32, #tpu.memory_space<hbm>>
      tpu.wait_dma2 semaphore(%run_scoped3A : memref<!tpu.dma_semaphore, #tpu.memory_space<semaphore_mem>>) src(%dma_wait3A_16 : memref<10000xi32, #tpu.memory_space<hbm>>) dst(%arg5 : memref<10000xi32, #tpu.memory_space<vmem>>)
      tpu.yield
    }) : () -> ()
    %broadcast_in_dim3A_8 = arith.constant 1.000000e+00 : f32
    %broadcast_in_dim3A_9 = vector.broadcast %broadcast_in_dim3A_8 : f32 to vector<16xf32>
    %scan3A_10 = arith.constant 0 : i32
    %scan3A_11 = arith.constant 625 : i32
    %scan3A_12 = arith.addi %scan3A_10, %scan3A_11 : i32
    %scan3A_13 = arith.constant 1 : i32
    scf.for %scan3A_15 = %scan3A_10 to %scan3A_12 step %scan3A_13  : i32 {
      %mul3A_16 = arith.constant 1 : i32
      %mul3A_17 = arith.muli %scan3A_15, %mul3A_16 : i32
      %add3A_18 = arith.constant 0 : i32
      %add3A_19 = arith.addi %add3A_18, %mul3A_17 : i32
      %mul3A_20 = arith.constant 16 : i32
      %mul3A_21 = arith.muli %add3A_19, %mul3A_20 : i32
      %get3A = arith.index_cast %mul3A_21 : i32 to index
      %get3A_22 = tpu.vector_load %arg5[%get3A] {strides = array<i32>} : memref<10000xi32, #tpu.memory_space<vmem>>, vector<16xi32>,
      tpu.vector_store_idx %arg4[%get3A_22], %broadcast_in_dim3A_9 {add = true} : memref<10240xf32, #tpu.memory_space<vmem>>[vector<16xi32>], vector<16xf32>,
    }
    %scan3A_14 = arith.constant 625 : i32
    "tpu.region"() ({
      %run_scoped3A = tpu.sem_alloc : memref<!tpu.dma_semaphore, #tpu.memory_space<semaphore_mem>>
      %dma_start3A = arith.constant 0 : i32
      %dma_start3A_15 = tpu.memref_slice %arg3[%add3A, %dma_start3A] : memref<32x10240xf32, #tpu.memory_space<hbm>> -> memref<1x10240xf32, #tpu.memory_space<hbm>>
      %dma_start3A_16 = tpu.memref_squeeze %dma_start3A_15 : memref<1x10240xf32, #tpu.memory_space<hbm>> -> memref<10240xf32, #tpu.memory_space<hbm>>
      %dma_start3A_17 = arith.constant 0 : i32
      %dma_start3A_18 = tpu.memref_slice %arg3[%add3A, %dma_start3A_17] : memref<32x10240xf32, #tpu.memory_space<hbm>> -> memref<1x10240xf32, #tpu.memory_space<hbm>>
      %dma_start3A_19 = tpu.memref_squeeze %dma_start3A_18 : memref<1x10240xf32, #tpu.memory_space<hbm>> -> memref<10240xf32, #tpu.memory_space<hbm>>
      tpu.enqueue_dma source(%arg4 : memref<10240xf32, #tpu.memory_space<vmem>>) target(%dma_start3A_19 : memref<10240xf32, #tpu.memory_space<hbm>>) target_semaphore(%run_scoped3A : memref<!tpu.dma_semaphore, #tpu.memory_space<semaphore_mem>>)
      %dma_wait3A = arith.constant 0 : i32
      %dma_wait3A_20 = tpu.memref_slice %arg3[%add3A, %dma_wait3A] : memref<32x10240xf32, #tpu.memory_space<hbm>> -> memref<1x10240xf32, #tpu.memory_space<hbm>>
      %dma_wait3A_21 = tpu.memref_squeeze %dma_wait3A_20 : memref<1x10240xf32, #tpu.memory_space<hbm>> -> memref<10240xf32, #tpu.memory_space<hbm>>
      %dma_wait3A_22 = arith.constant 0 : i32
      %dma_wait3A_23 = tpu.memref_slice %arg3[%add3A, %dma_wait3A_22] : memref<32x10240xf32, #tpu.memory_space<hbm>> -> memref<1x10240xf32, #tpu.memory_space<hbm>>
      %dma_wait3A_24 = tpu.memref_squeeze %dma_wait3A_23 : memref<1x10240xf32, #tpu.memory_space<hbm>> -> memref<10240xf32, #tpu.memory_space<hbm>>
      tpu.wait_dma2 semaphore(%run_scoped3A : memref<!tpu.dma_semaphore, #tpu.memory_space<semaphore_mem>>) src(%arg4 : memref<10240xf32, #tpu.memory_space<vmem>>) dst(%dma_wait3A_24 : memref<10240xf32, #tpu.memory_space<hbm>>)
      tpu.yield
    }) : () -> ()
    return
  }
}

#map = affine_map<(d0, d1) -> (0, 0)>
#map1 = affine_map<(d0, d1) -> (0)>
module attributes {stable_mosaic.version = 14 : i64} {
  func.func @_agg_split_body(%arg0: i32, %arg1: i32, %arg2: memref<10000x128xf32, #tpu.memory_space<hbm>>, %arg3: memref<320000xi32, #tpu.memory_space<hbm>>, %arg4: memref<320000xi32, #tpu.memory_space<hbm>>, %arg5: memref<10240x128xf32, #tpu.memory_space<hbm>>, %arg6: memref<20480x128xf32, #tpu.memory_space<hbm>>, %arg7: memref<10240x128xf32, #tpu.memory_space<vmem_shared>>, %arg8: memref<10000xi32, #tpu.memory_space<vmem>>, %arg9: memref<10000xi32, #tpu.memory_space<vmem>>, %arg10: memref<80x128xf32, #tpu.memory_space<vmem>>, %arg11: memref<80x128xf32, #tpu.memory_space<vmem>>, %arg12: memref<!tpu.dma_semaphore, #tpu.memory_space<semaphore_mem>>, %arg13: memref<!tpu.dma_semaphore, #tpu.memory_space<semaphore_mem>>) attributes {dimension_semantics = [#tpu.dimension_semantics<core_parallel>, #tpu.dimension_semantics<subcore_parallel>], iteration_bounds = array<i64: 2, 16>, scalar_prefetch = 0 : i64, scratch_operands = 7 : i64, tpu.core_type = #tpu.core_type<sc_vector_subcore>, window_params = [{transform_indices = #map}, {transform_indices = #map1}, {transform_indices = #map1}, {transform_indices = #map}, {transform_indices = #map}]} {
    %mul3A = arith.constant 640 : i32
    %mul3A_0 = arith.muli %arg1, %mul3A : i32
    %mul3A_1 = arith.constant 640 : i32
    %mul3A_2 = arith.muli %arg1, %mul3A_1 : i32
    "tpu.region"() ({
      %run_scoped3A = tpu.sem_alloc : memref<!tpu.dma_semaphore, #tpu.memory_space<semaphore_mem>>
      %dma_start3A_32 = arith.constant 0 : i32
      %dma_start3A_33 = tpu.memref_slice %arg7[%mul3A_2, %dma_start3A_32] : memref<10240x128xf32, #tpu.memory_space<vmem_shared>> -> memref<640x128xf32, #tpu.memory_space<vmem_shared>>
      %dma_start3A_34 = arith.constant 0 : i32
      %dma_start3A_35 = tpu.memref_slice %arg5[%mul3A_0, %dma_start3A_34] : memref<10240x128xf32, #tpu.memory_space<hbm>> -> memref<640x128xf32, #tpu.memory_space<hbm>>
      tpu.enqueue_dma source(%dma_start3A_35 : memref<640x128xf32, #tpu.memory_space<hbm>>) target(%dma_start3A_33 : memref<640x128xf32, #tpu.memory_space<vmem_shared>>) target_semaphore(%run_scoped3A : memref<!tpu.dma_semaphore, #tpu.memory_space<semaphore_mem>>)
      %dma_wait3A_36 = arith.constant 0 : i32
      %dma_wait3A_37 = tpu.memref_slice %arg7[%mul3A_2, %dma_wait3A_36] : memref<10240x128xf32, #tpu.memory_space<vmem_shared>> -> memref<640x128xf32, #tpu.memory_space<vmem_shared>>
      %dma_wait3A_38 = arith.constant 0 : i32
      %dma_wait3A_39 = tpu.memref_slice %arg5[%mul3A_0, %dma_wait3A_38] : memref<10240x128xf32, #tpu.memory_space<hbm>> -> memref<640x128xf32, #tpu.memory_space<hbm>>
      tpu.wait_dma2 semaphore(%run_scoped3A : memref<!tpu.dma_semaphore, #tpu.memory_space<semaphore_mem>>) src(%dma_wait3A_39 : memref<640x128xf32, #tpu.memory_space<hbm>>) dst(%dma_wait3A_37 : memref<640x128xf32, #tpu.memory_space<vmem_shared>>)
      tpu.yield
    }) : () -> ()
    %barrier3A = arith.constant 0 : index
    tpu.barrier barrier_id(%barrier3A)
    %mul3A_3 = arith.constant 16 : i32
    %mul3A_4 = arith.muli %arg0, %mul3A_3 : i32
    %add3A = arith.addi %mul3A_4, %arg1 : i32
    %mul3A_5 = arith.constant 10000 : i32
    %mul3A_6 = arith.muli %add3A, %mul3A_5 : i32
    %add3A_7 = arith.constant 0 : i32
    %add3A_8 = arith.addi %mul3A_6, %add3A_7 : i32
    %add3A_9 = arith.constant 0 : i32
    %add3A_10 = arith.addi %mul3A_6, %add3A_9 : i32
    "tpu.region"() ({
      %run_scoped3A = tpu.sem_alloc : memref<!tpu.dma_semaphore, #tpu.memory_space<semaphore_mem>>
      %dma_start3A_32 = tpu.memref_slice %arg3[%add3A_8] : memref<320000xi32, #tpu.memory_space<hbm>> -> memref<10000xi32, #tpu.memory_space<hbm>>
      %dma_start3A_33 = tpu.memref_slice %arg3[%add3A_8] : memref<320000xi32, #tpu.memory_space<hbm>> -> memref<10000xi32, #tpu.memory_space<hbm>>
      tpu.enqueue_dma source(%dma_start3A_33 : memref<10000xi32, #tpu.memory_space<hbm>>) target(%arg8 : memref<10000xi32, #tpu.memory_space<vmem>>) target_semaphore(%run_scoped3A : memref<!tpu.dma_semaphore, #tpu.memory_space<semaphore_mem>>)
      %dma_wait3A_34 = tpu.memref_slice %arg3[%add3A_8] : memref<320000xi32, #tpu.memory_space<hbm>> -> memref<10000xi32, #tpu.memory_space<hbm>>
      %dma_wait3A_35 = tpu.memref_slice %arg3[%add3A_8] : memref<320000xi32, #tpu.memory_space<hbm>> -> memref<10000xi32, #tpu.memory_space<hbm>>
      tpu.wait_dma2 semaphore(%run_scoped3A : memref<!tpu.dma_semaphore, #tpu.memory_space<semaphore_mem>>) src(%dma_wait3A_35 : memref<10000xi32, #tpu.memory_space<hbm>>) dst(%arg8 : memref<10000xi32, #tpu.memory_space<vmem>>)
      tpu.yield
    }) : () -> ()
    "tpu.region"() ({
      %run_scoped3A = tpu.sem_alloc : memref<!tpu.dma_semaphore, #tpu.memory_space<semaphore_mem>>
      %dma_start3A_32 = tpu.memref_slice %arg4[%add3A_10] : memref<320000xi32, #tpu.memory_space<hbm>> -> memref<10000xi32, #tpu.memory_space<hbm>>
      %dma_start3A_33 = tpu.memref_slice %arg4[%add3A_10] : memref<320000xi32, #tpu.memory_space<hbm>> -> memref<10000xi32, #tpu.memory_space<hbm>>
      tpu.enqueue_dma source(%dma_start3A_33 : memref<10000xi32, #tpu.memory_space<hbm>>) target(%arg9 : memref<10000xi32, #tpu.memory_space<vmem>>) target_semaphore(%run_scoped3A : memref<!tpu.dma_semaphore, #tpu.memory_space<semaphore_mem>>)
      %dma_wait3A_34 = tpu.memref_slice %arg4[%add3A_10] : memref<320000xi32, #tpu.memory_space<hbm>> -> memref<10000xi32, #tpu.memory_space<hbm>>
      %dma_wait3A_35 = tpu.memref_slice %arg4[%add3A_10] : memref<320000xi32, #tpu.memory_space<hbm>> -> memref<10000xi32, #tpu.memory_space<hbm>>
      tpu.wait_dma2 semaphore(%run_scoped3A : memref<!tpu.dma_semaphore, #tpu.memory_space<semaphore_mem>>) src(%dma_wait3A_35 : memref<10000xi32, #tpu.memory_space<hbm>>) dst(%arg9 : memref<10000xi32, #tpu.memory_space<vmem>>)
      tpu.yield
    }) : () -> ()
    %dma_start3A = arith.constant 0 : i32
    %dma_start3A_11 = tpu.memref_slice %arg8[%dma_start3A] : memref<10000xi32, #tpu.memory_space<vmem>> -> memref<80xi32, #tpu.memory_space<vmem>>
    %dma_start3A_12 = arith.constant 0 : i32
    %dma_start3A_13 = arith.constant 0 : i32
    %dma_start3A_14 = tpu.memref_slice %arg2[%dma_start3A_12, %dma_start3A_13] : memref<10000x128xf32, #tpu.memory_space<hbm>> -> memref<10000x128xf32, #tpu.memory_space<hbm>>
    tpu.enqueue_indirect_dma source(%dma_start3A_14 : memref<10000x128xf32, #tpu.memory_space<hbm>>) target(%arg10 : memref<80x128xf32, #tpu.memory_space<vmem>>) offsets(%dma_start3A_11 : memref<80xi32, #tpu.memory_space<vmem>>) semaphore(%arg12 : memref<!tpu.dma_semaphore, #tpu.memory_space<semaphore_mem>>)
    %scan3A = arith.constant 0 : i32
    %scan3A_15 = arith.constant 62 : i32
    %scan3A_16 = arith.addi %scan3A, %scan3A_15 : i32
    %scan3A_17 = arith.constant 1 : i32
    scf.for %scan3A_32 = %scan3A to %scan3A_16 step %scan3A_17  : i32 {
      %mul3A_33 = arith.constant 1 : i32
      %mul3A_34 = arith.muli %scan3A_32, %mul3A_33 : i32
      %add3A_35 = arith.constant 0 : i32
      %add3A_36 = arith.addi %add3A_35, %mul3A_34 : i32
      %mul3A_37 = arith.constant 2 : i32
      %mul3A_38 = arith.muli %mul3A_37, %add3A_36 : i32
      %add3A_39 = arith.constant 1 : i32
      %add3A_40 = arith.addi %mul3A_38, %add3A_39 : i32
      %mul3A_41 = arith.constant 80 : i32
      %mul3A_42 = arith.muli %add3A_40, %mul3A_41 : i32
      %dma_start3A_43 = tpu.memref_slice %arg8[%mul3A_42] : memref<10000xi32, #tpu.memory_space<vmem>> -> memref<80xi32, #tpu.memory_space<vmem>>
      %dma_start3A_44 = arith.constant 0 : i32
      %dma_start3A_45 = arith.constant 0 : i32
      %dma_start3A_46 = tpu.memref_slice %arg2[%dma_start3A_44, %dma_start3A_45] : memref<10000x128xf32, #tpu.memory_space<hbm>> -> memref<10000x128xf32, #tpu.memory_space<hbm>>
      tpu.enqueue_indirect_dma source(%dma_start3A_46 : memref<10000x128xf32, #tpu.memory_space<hbm>>) target(%arg11 : memref<80x128xf32, #tpu.memory_space<vmem>>) offsets(%dma_start3A_43 : memref<80xi32, #tpu.memory_space<vmem>>) semaphore(%arg13 : memref<!tpu.dma_semaphore, #tpu.memory_space<semaphore_mem>>)
      %dma_wait3A_47 = arith.constant 0 : i32
      %dma_wait3A_48 = arith.constant 0 : i32
      %dma_wait3A_49 = tpu.memref_slice %arg2[%dma_wait3A_47, %dma_wait3A_48] : memref<10000x128xf32, #tpu.memory_space<hbm>> -> memref<80x128xf32, #tpu.memory_space<hbm>>
      %dma_wait3A_50 = arith.constant 0 : i32
      %dma_wait3A_51 = arith.constant 0 : i32
      %dma_wait3A_52 = tpu.memref_slice %arg2[%dma_wait3A_50, %dma_wait3A_51] : memref<10000x128xf32, #tpu.memory_space<hbm>> -> memref<80x128xf32, #tpu.memory_space<hbm>>
      tpu.wait_dma2 semaphore(%arg12 : memref<!tpu.dma_semaphore, #tpu.memory_space<semaphore_mem>>) src(%dma_wait3A_52 : memref<80x128xf32, #tpu.memory_space<hbm>>) dst(%arg10 : memref<80x128xf32, #tpu.memory_space<vmem>>)
      %mul3A_53 = arith.constant 80 : i32
      %mul3A_54 = arith.muli %mul3A_38, %mul3A_53 : i32
      "tpu.region"() ({
        %run_scoped3A = tpu.sem_alloc : memref<!tpu.dma_semaphore, #tpu.memory_space<semaphore_mem>>
        %dma_start3A_69 = tpu.memref_slice %arg9[%mul3A_54] : memref<10000xi32, #tpu.memory_space<vmem>> -> memref<80xi32, #tpu.memory_space<vmem>>
        %dma_start3A_70 = arith.constant 0 : i32
        %dma_start3A_71 = arith.constant 0 : i32
        %dma_start3A_72 = tpu.memref_slice %arg7[%dma_start3A_70, %dma_start3A_71] : memref<10240x128xf32, #tpu.memory_space<vmem_shared>> -> memref<10240x128xf32, #tpu.memory_space<vmem_shared>>
        tpu.enqueue_indirect_dma source(%arg10 : memref<80x128xf32, #tpu.memory_space<vmem>>) target(%dma_start3A_72 : memref<10240x128xf32, #tpu.memory_space<vmem_shared>>) offsets(%dma_start3A_69 : memref<80xi32, #tpu.memory_space<vmem>>) semaphore(%run_scoped3A : memref<!tpu.dma_semaphore, #tpu.memory_space<semaphore_mem>>) {add = true}
        %dma_wait3A_73 = tpu.memref_slice %arg9[%mul3A_54] : memref<10000xi32, #tpu.memory_space<vmem>> -> memref<80xi32, #tpu.memory_space<vmem>>
        %dma_wait3A_74 = arith.constant 0 : i32
        %dma_wait3A_75 = arith.constant 0 : i32
        %dma_wait3A_76 = tpu.memref_slice %arg7[%dma_wait3A_74, %dma_wait3A_75] : memref<10240x128xf32, #tpu.memory_space<vmem_shared>> -> memref<10240x128xf32, #tpu.memory_space<vmem_shared>>
        tpu.wait_indirect_dma semaphore(%run_scoped3A : memref<!tpu.dma_semaphore, #tpu.memory_space<semaphore_mem>>) src(%arg10 : memref<80x128xf32, #tpu.memory_space<vmem>>) dst(%dma_wait3A_76 : memref<10240x128xf32, #tpu.memory_space<vmem_shared>>)
        tpu.yield
      }) : () -> ()
      %add3A_55 = arith.constant 2 : i32
      %add3A_56 = arith.addi %mul3A_38, %add3A_55 : i32
      %lt3A = arith.constant 125 : i32
      %lt3A_57 = arith.cmpi slt, %add3A_56, %lt3A : i32
      %convert_element_type3A = arith.extui %lt3A_57 : i1 to i32
      %cond3A = arith.constant 0 : i32
      %cond3A_58 = arith.cmpi ne, %convert_element_type3A, %cond3A : i32
      scf.if %cond3A_58 {
        %add3A_69 = arith.constant 2 : i32
        %add3A_70 = arith.addi %mul3A_38, %add3A_69 : i32
        %mul3A_71 = arith.constant 80 : i32
        %mul3A_72 = arith.muli %add3A_70, %mul3A_71 : i32
        %dma_start3A_73 = tpu.memref_slice %arg8[%mul3A_72] : memref<10000xi32, #tpu.memory_space<vmem>> -> memref<80xi32, #tpu.memory_space<vmem>>
        %dma_start3A_74 = arith.constant 0 : i32
        %dma_start3A_75 = arith.constant 0 : i32
        %dma_start3A_76 = tpu.memref_slice %arg2[%dma_start3A_74, %dma_start3A_75] : memref<10000x128xf32, #tpu.memory_space<hbm>> -> memref<10000x128xf32, #tpu.memory_space<hbm>>
        tpu.enqueue_indirect_dma source(%dma_start3A_76 : memref<10000x128xf32, #tpu.memory_space<hbm>>) target(%arg10 : memref<80x128xf32, #tpu.memory_space<vmem>>) offsets(%dma_start3A_73 : memref<80xi32, #tpu.memory_space<vmem>>) semaphore(%arg12 : memref<!tpu.dma_semaphore, #tpu.memory_space<semaphore_mem>>)
      } else {
      }
      %dma_wait3A_59 = arith.constant 0 : i32
      %dma_wait3A_60 = arith.constant 0 : i32
      %dma_wait3A_61 = tpu.memref_slice %arg2[%dma_wait3A_59, %dma_wait3A_60] : memref<10000x128xf32, #tpu.memory_space<hbm>> -> memref<80x128xf32, #tpu.memory_space<hbm>>
      %dma_wait3A_62 = arith.constant 0 : i32
      %dma_wait3A_63 = arith.constant 0 : i32
      %dma_wait3A_64 = tpu.memref_slice %arg2[%dma_wait3A_62, %dma_wait3A_63] : memref<10000x128xf32, #tpu.memory_space<hbm>> -> memref<80x128xf32, #tpu.memory_space<hbm>>
      tpu.wait_dma2 semaphore(%arg13 : memref<!tpu.dma_semaphore, #tpu.memory_space<semaphore_mem>>) src(%dma_wait3A_64 : memref<80x128xf32, #tpu.memory_space<hbm>>) dst(%arg11 : memref<80x128xf32, #tpu.memory_space<vmem>>)
      %add3A_65 = arith.constant 1 : i32
      %add3A_66 = arith.addi %mul3A_38, %add3A_65 : i32
      %mul3A_67 = arith.constant 80 : i32
      %mul3A_68 = arith.muli %add3A_66, %mul3A_67 : i32
      "tpu.region"() ({
        %run_scoped3A = tpu.sem_alloc : memref<!tpu.dma_semaphore, #tpu.memory_space<semaphore_mem>>
        %dma_start3A_69 = tpu.memref_slice %arg9[%mul3A_68] : memref<10000xi32, #tpu.memory_space<vmem>> -> memref<80xi32, #tpu.memory_space<vmem>>
        %dma_start3A_70 = arith.constant 0 : i32
        %dma_start3A_71 = arith.constant 0 : i32
        %dma_start3A_72 = tpu.memref_slice %arg7[%dma_start3A_70, %dma_start3A_71] : memref<10240x128xf32, #tpu.memory_space<vmem_shared>> -> memref<10240x128xf32, #tpu.memory_space<vmem_shared>>
        tpu.enqueue_indirect_dma source(%arg11 : memref<80x128xf32, #tpu.memory_space<vmem>>) target(%dma_start3A_72 : memref<10240x128xf32, #tpu.memory_space<vmem_shared>>) offsets(%dma_start3A_69 : memref<80xi32, #tpu.memory_space<vmem>>) semaphore(%run_scoped3A : memref<!tpu.dma_semaphore, #tpu.memory_space<semaphore_mem>>) {add = true}
        %dma_wait3A_73 = tpu.memref_slice %arg9[%mul3A_68] : memref<10000xi32, #tpu.memory_space<vmem>> -> memref<80xi32, #tpu.memory_space<vmem>>
        %dma_wait3A_74 = arith.constant 0 : i32
        %dma_wait3A_75 = arith.constant 0 : i32
        %dma_wait3A_76 = tpu.memref_slice %arg7[%dma_wait3A_74, %dma_wait3A_75] : memref<10240x128xf32, #tpu.memory_space<vmem_shared>> -> memref<10240x128xf32, #tpu.memory_space<vmem_shared>>
        tpu.wait_indirect_dma semaphore(%run_scoped3A : memref<!tpu.dma_semaphore, #tpu.memory_space<semaphore_mem>>) src(%arg11 : memref<80x128xf32, #tpu.memory_space<vmem>>) dst(%dma_wait3A_76 : memref<10240x128xf32, #tpu.memory_space<vmem_shared>>)
        tpu.yield
      }) : () -> ()
    }
    %scan3A_18 = arith.constant 62 : i32
    %dma_wait3A = arith.constant 0 : i32
    %dma_wait3A_19 = arith.constant 0 : i32
    %dma_wait3A_20 = tpu.memref_slice %arg2[%dma_wait3A, %dma_wait3A_19] : memref<10000x128xf32, #tpu.memory_space<hbm>> -> memref<80x128xf32, #tpu.memory_space<hbm>>
    %dma_wait3A_21 = arith.constant 0 : i32
    %dma_wait3A_22 = arith.constant 0 : i32
    %dma_wait3A_23 = tpu.memref_slice %arg2[%dma_wait3A_21, %dma_wait3A_22] : memref<10000x128xf32, #tpu.memory_space<hbm>> -> memref<80x128xf32, #tpu.memory_space<hbm>>
    tpu.wait_dma2 semaphore(%arg12 : memref<!tpu.dma_semaphore, #tpu.memory_space<semaphore_mem>>) src(%dma_wait3A_23 : memref<80x128xf32, #tpu.memory_space<hbm>>) dst(%arg10 : memref<80x128xf32, #tpu.memory_space<vmem>>)
    "tpu.region"() ({
      %run_scoped3A = tpu.sem_alloc : memref<!tpu.dma_semaphore, #tpu.memory_space<semaphore_mem>>
      %dma_start3A_32 = arith.constant 9920 : i32
      %dma_start3A_33 = tpu.memref_slice %arg9[%dma_start3A_32] : memref<10000xi32, #tpu.memory_space<vmem>> -> memref<80xi32, #tpu.memory_space<vmem>>
      %dma_start3A_34 = arith.constant 0 : i32
      %dma_start3A_35 = arith.constant 0 : i32
      %dma_start3A_36 = tpu.memref_slice %arg7[%dma_start3A_34, %dma_start3A_35] : memref<10240x128xf32, #tpu.memory_space<vmem_shared>> -> memref<10240x128xf32, #tpu.memory_space<vmem_shared>>
      tpu.enqueue_indirect_dma source(%arg10 : memref<80x128xf32, #tpu.memory_space<vmem>>) target(%dma_start3A_36 : memref<10240x128xf32, #tpu.memory_space<vmem_shared>>) offsets(%dma_start3A_33 : memref<80xi32, #tpu.memory_space<vmem>>) semaphore(%run_scoped3A : memref<!tpu.dma_semaphore, #tpu.memory_space<semaphore_mem>>) {add = true}
      %dma_wait3A_37 = arith.constant 9920 : i32
      %dma_wait3A_38 = tpu.memref_slice %arg9[%dma_wait3A_37] : memref<10000xi32, #tpu.memory_space<vmem>> -> memref<80xi32, #tpu.memory_space<vmem>>
      %dma_wait3A_39 = arith.constant 0 : i32
      %dma_wait3A_40 = arith.constant 0 : i32
      %dma_wait3A_41 = tpu.memref_slice %arg7[%dma_wait3A_39, %dma_wait3A_40] : memref<10240x128xf32, #tpu.memory_space<vmem_shared>> -> memref<10240x128xf32, #tpu.memory_space<vmem_shared>>
      tpu.wait_indirect_dma semaphore(%run_scoped3A : memref<!tpu.dma_semaphore, #tpu.memory_space<semaphore_mem>>) src(%arg10 : memref<80x128xf32, #tpu.memory_space<vmem>>) dst(%dma_wait3A_41 : memref<10240x128xf32, #tpu.memory_space<vmem_shared>>)
      tpu.yield
    }) : () -> ()
    %barrier3A_24 = arith.constant 0 : index
    tpu.barrier barrier_id(%barrier3A_24)
    %mul3A_25 = arith.constant 640 : i32
    %mul3A_26 = arith.muli %arg1, %mul3A_25 : i32
    %mul3A_27 = arith.constant 10240 : i32
    %mul3A_28 = arith.muli %arg0, %mul3A_27 : i32
    %mul3A_29 = arith.constant 640 : i32
    %mul3A_30 = arith.muli %arg1, %mul3A_29 : i32
    %add3A_31 = arith.addi %mul3A_28, %mul3A_30 : i32
    "tpu.region"() ({
      %run_scoped3A = tpu.sem_alloc : memref<!tpu.dma_semaphore, #tpu.memory_space<semaphore_mem>>
      %dma_start3A_32 = arith.constant 0 : i32
      %dma_start3A_33 = tpu.memref_slice %arg6[%add3A_31, %dma_start3A_32] : memref<20480x128xf32, #tpu.memory_space<hbm>> -> memref<640x128xf32, #tpu.memory_space<hbm>>
      %dma_start3A_34 = arith.constant 0 : i32
      %dma_start3A_35 = tpu.memref_slice %arg7[%mul3A_26, %dma_start3A_34] : memref<10240x128xf32, #tpu.memory_space<vmem_shared>> -> memref<640x128xf32, #tpu.memory_space<vmem_shared>>
      tpu.enqueue_dma source(%dma_start3A_35 : memref<640x128xf32, #tpu.memory_space<vmem_shared>>) target(%dma_start3A_33 : memref<640x128xf32, #tpu.memory_space<hbm>>) target_semaphore(%run_scoped3A : memref<!tpu.dma_semaphore, #tpu.memory_space<semaphore_mem>>)
      %dma_wait3A_36 = arith.constant 0 : i32
      %dma_wait3A_37 = tpu.memref_slice %arg6[%add3A_31, %dma_wait3A_36] : memref<20480x128xf32, #tpu.memory_space<hbm>> -> memref<640x128xf32, #tpu.memory_space<hbm>>
      %dma_wait3A_38 = arith.constant 0 : i32
      %dma_wait3A_39 = tpu.memref_slice %arg7[%mul3A_26, %dma_wait3A_38] : memref<10240x128xf32, #tpu.memory_space<vmem_shared>> -> memref<640x128xf32, #tpu.memory_space<vmem_shared>>
      tpu.wait_dma2 semaphore(%run_scoped3A : memref<!tpu.dma_semaphore, #tpu.memory_space<semaphore_mem>>) src(%dma_wait3A_39 : memref<640x128xf32, #tpu.memory_space<vmem_shared>>) dst(%dma_wait3A_37 : memref<640x128xf32, #tpu.memory_space<hbm>>)
      tpu.yield
    }) : () -> ()
    return
  }
}

#map = affine_map<(d0, d1) -> (0, 0)>
#map1 = affine_map<(d0, d1) -> (0)>
module attributes {stable_mosaic.version = 14 : i64} {
  func.func @_agg_dual_body(%arg0: i32, %arg1: i32, %arg2: memref<20000x128xf32, #tpu.memory_space<hbm>>, %arg3: memref<640000xi32, #tpu.memory_space<hbm>>, %arg4: memref<320000xi32, #tpu.memory_space<hbm>>, %arg5: memref<10240x128xf32, #tpu.memory_space<hbm>>, %arg6: memref<20480x128xf32, #tpu.memory_space<hbm>>, %arg7: memref<10240x128xf32, #tpu.memory_space<vmem_shared>>, %arg8: memref<10000xi32, #tpu.memory_space<vmem>>, %arg9: memref<10000xi32, #tpu.memory_space<vmem>>, %arg10: memref<80x128xf32, #tpu.memory_space<vmem>>, %arg11: memref<80x128xf32, #tpu.memory_space<vmem>>, %arg12: memref<!tpu.dma_semaphore, #tpu.memory_space<semaphore_mem>>, %arg13: memref<!tpu.dma_semaphore, #tpu.memory_space<semaphore_mem>>) attributes {dimension_semantics = [#tpu.dimension_semantics<core_parallel>, #tpu.dimension_semantics<subcore_parallel>], iteration_bounds = array<i64: 2, 16>, scalar_prefetch = 0 : i64, scratch_operands = 7 : i64, tpu.core_type = #tpu.core_type<sc_vector_subcore>, window_params = [{transform_indices = #map}, {transform_indices = #map1}, {transform_indices = #map1}, {transform_indices = #map}, {transform_indices = #map}]} {
    %mul3A = arith.constant 640 : i32
    %mul3A_0 = arith.muli %arg1, %mul3A : i32
    %mul3A_1 = arith.constant 640 : i32
    %mul3A_2 = arith.muli %arg1, %mul3A_1 : i32
    "tpu.region"() ({
      %run_scoped3A = tpu.sem_alloc : memref<!tpu.dma_semaphore, #tpu.memory_space<semaphore_mem>>
      %dma_start3A_54 = arith.constant 0 : i32
      %dma_start3A_55 = tpu.memref_slice %arg7[%mul3A_2, %dma_start3A_54] : memref<10240x128xf32, #tpu.memory_space<vmem_shared>> -> memref<640x128xf32, #tpu.memory_space<vmem_shared>>
      %dma_start3A_56 = arith.constant 0 : i32
      %dma_start3A_57 = tpu.memref_slice %arg5[%mul3A_0, %dma_start3A_56] : memref<10240x128xf32, #tpu.memory_space<hbm>> -> memref<640x128xf32, #tpu.memory_space<hbm>>
      tpu.enqueue_dma source(%dma_start3A_57 : memref<640x128xf32, #tpu.memory_space<hbm>>) target(%dma_start3A_55 : memref<640x128xf32, #tpu.memory_space<vmem_shared>>) target_semaphore(%run_scoped3A : memref<!tpu.dma_semaphore, #tpu.memory_space<semaphore_mem>>)
      %dma_wait3A_58 = arith.constant 0 : i32
      %dma_wait3A_59 = tpu.memref_slice %arg7[%mul3A_2, %dma_wait3A_58] : memref<10240x128xf32, #tpu.memory_space<vmem_shared>> -> memref<640x128xf32, #tpu.memory_space<vmem_shared>>
      %dma_wait3A_60 = arith.constant 0 : i32
      %dma_wait3A_61 = tpu.memref_slice %arg5[%mul3A_0, %dma_wait3A_60] : memref<10240x128xf32, #tpu.memory_space<hbm>> -> memref<640x128xf32, #tpu.memory_space<hbm>>
      tpu.wait_dma2 semaphore(%run_scoped3A : memref<!tpu.dma_semaphore, #tpu.memory_space<semaphore_mem>>) src(%dma_wait3A_61 : memref<640x128xf32, #tpu.memory_space<hbm>>) dst(%dma_wait3A_59 : memref<640x128xf32, #tpu.memory_space<vmem_shared>>)
      tpu.yield
    }) : () -> ()
    %barrier3A = arith.constant 0 : index
    tpu.barrier barrier_id(%barrier3A)
    %mul3A_3 = arith.constant 320000 : i32
    %mul3A_4 = arith.muli %arg0, %mul3A_3 : i32
    %mul3A_5 = arith.constant 20000 : i32
    %mul3A_6 = arith.muli %arg1, %mul3A_5 : i32
    %add3A = arith.addi %mul3A_4, %mul3A_6 : i32
    %mul3A_7 = arith.constant 20000 : i32
    %mul3A_8 = arith.muli %arg1, %mul3A_7 : i32
    %add3A_9 = arith.constant 0 : i32
    %add3A_10 = arith.addi %add3A, %add3A_9 : i32
    %add3A_11 = arith.constant 0 : i32
    %add3A_12 = arith.addi %mul3A_8, %add3A_11 : i32
    "tpu.region"() ({
      %run_scoped3A = tpu.sem_alloc : memref<!tpu.dma_semaphore, #tpu.memory_space<semaphore_mem>>
      %dma_start3A_54 = tpu.memref_slice %arg3[%add3A_10] : memref<640000xi32, #tpu.memory_space<hbm>> -> memref<10000xi32, #tpu.memory_space<hbm>>
      %dma_start3A_55 = tpu.memref_slice %arg3[%add3A_10] : memref<640000xi32, #tpu.memory_space<hbm>> -> memref<10000xi32, #tpu.memory_space<hbm>>
      tpu.enqueue_dma source(%dma_start3A_55 : memref<10000xi32, #tpu.memory_space<hbm>>) target(%arg8 : memref<10000xi32, #tpu.memory_space<vmem>>) target_semaphore(%run_scoped3A : memref<!tpu.dma_semaphore, #tpu.memory_space<semaphore_mem>>)
      %dma_wait3A_56 = tpu.memref_slice %arg3[%add3A_10] : memref<640000xi32, #tpu.memory_space<hbm>> -> memref<10000xi32, #tpu.memory_space<hbm>>
      %dma_wait3A_57 = tpu.memref_slice %arg3[%add3A_10] : memref<640000xi32, #tpu.memory_space<hbm>> -> memref<10000xi32, #tpu.memory_space<hbm>>
      tpu.wait_dma2 semaphore(%run_scoped3A : memref<!tpu.dma_semaphore, #tpu.memory_space<semaphore_mem>>) src(%dma_wait3A_57 : memref<10000xi32, #tpu.memory_space<hbm>>) dst(%arg8 : memref<10000xi32, #tpu.memory_space<vmem>>)
      tpu.yield
    }) : () -> ()
    "tpu.region"() ({
      %run_scoped3A = tpu.sem_alloc : memref<!tpu.dma_semaphore, #tpu.memory_space<semaphore_mem>>
      %dma_start3A_54 = tpu.memref_slice %arg4[%add3A_12] : memref<320000xi32, #tpu.memory_space<hbm>> -> memref<10000xi32, #tpu.memory_space<hbm>>
      %dma_start3A_55 = tpu.memref_slice %arg4[%add3A_12] : memref<320000xi32, #tpu.memory_space<hbm>> -> memref<10000xi32, #tpu.memory_space<hbm>>
      tpu.enqueue_dma source(%dma_start3A_55 : memref<10000xi32, #tpu.memory_space<hbm>>) target(%arg9 : memref<10000xi32, #tpu.memory_space<vmem>>) target_semaphore(%run_scoped3A : memref<!tpu.dma_semaphore, #tpu.memory_space<semaphore_mem>>)
      %dma_wait3A_56 = tpu.memref_slice %arg4[%add3A_12] : memref<320000xi32, #tpu.memory_space<hbm>> -> memref<10000xi32, #tpu.memory_space<hbm>>
      %dma_wait3A_57 = tpu.memref_slice %arg4[%add3A_12] : memref<320000xi32, #tpu.memory_space<hbm>> -> memref<10000xi32, #tpu.memory_space<hbm>>
      tpu.wait_dma2 semaphore(%run_scoped3A : memref<!tpu.dma_semaphore, #tpu.memory_space<semaphore_mem>>) src(%dma_wait3A_57 : memref<10000xi32, #tpu.memory_space<hbm>>) dst(%arg9 : memref<10000xi32, #tpu.memory_space<vmem>>)
      tpu.yield
    }) : () -> ()
    %dma_start3A = arith.constant 0 : i32
    %dma_start3A_13 = tpu.memref_slice %arg8[%dma_start3A] : memref<10000xi32, #tpu.memory_space<vmem>> -> memref<80xi32, #tpu.memory_space<vmem>>
    %dma_start3A_14 = arith.constant 0 : i32
    %dma_start3A_15 = arith.constant 0 : i32
    %dma_start3A_16 = tpu.memref_slice %arg2[%dma_start3A_14, %dma_start3A_15] : memref<20000x128xf32, #tpu.memory_space<hbm>> -> memref<20000x128xf32, #tpu.memory_space<hbm>>
    tpu.enqueue_indirect_dma source(%dma_start3A_16 : memref<20000x128xf32, #tpu.memory_space<hbm>>) target(%arg10 : memref<80x128xf32, #tpu.memory_space<vmem>>) offsets(%dma_start3A_13 : memref<80xi32, #tpu.memory_space<vmem>>) semaphore(%arg12 : memref<!tpu.dma_semaphore, #tpu.memory_space<semaphore_mem>>)
    %scan3A = arith.constant 0 : i32
    %scan3A_17 = arith.constant 62 : i32
    %scan3A_18 = arith.addi %scan3A, %scan3A_17 : i32
    %scan3A_19 = arith.constant 1 : i32
    scf.for %scan3A_54 = %scan3A to %scan3A_18 step %scan3A_19  : i32 {
      %mul3A_55 = arith.constant 1 : i32
      %mul3A_56 = arith.muli %scan3A_54, %mul3A_55 : i32
      %add3A_57 = arith.constant 0 : i32
      %add3A_58 = arith.addi %add3A_57, %mul3A_56 : i32
      %mul3A_59 = arith.constant 2 : i32
      %mul3A_60 = arith.muli %mul3A_59, %add3A_58 : i32
      %add3A_61 = arith.constant 1 : i32
      %add3A_62 = arith.addi %mul3A_60, %add3A_61 : i32
      %mul3A_63 = arith.constant 80 : i32
      %mul3A_64 = arith.muli %add3A_62, %mul3A_63 : i32
      %dma_start3A_65 = tpu.memref_slice %arg8[%mul3A_64] : memref<10000xi32, #tpu.memory_space<vmem>> -> memref<80xi32, #tpu.memory_space<vmem>>
      %dma_start3A_66 = arith.constant 0 : i32
      %dma_start3A_67 = arith.constant 0 : i32
      %dma_start3A_68 = tpu.memref_slice %arg2[%dma_start3A_66, %dma_start3A_67] : memref<20000x128xf32, #tpu.memory_space<hbm>> -> memref<20000x128xf32, #tpu.memory_space<hbm>>
      tpu.enqueue_indirect_dma source(%dma_start3A_68 : memref<20000x128xf32, #tpu.memory_space<hbm>>) target(%arg11 : memref<80x128xf32, #tpu.memory_space<vmem>>) offsets(%dma_start3A_65 : memref<80xi32, #tpu.memory_space<vmem>>) semaphore(%arg13 : memref<!tpu.dma_semaphore, #tpu.memory_space<semaphore_mem>>)
      %dma_wait3A_69 = arith.constant 0 : i32
      %dma_wait3A_70 = arith.constant 0 : i32
      %dma_wait3A_71 = tpu.memref_slice %arg2[%dma_wait3A_69, %dma_wait3A_70] : memref<20000x128xf32, #tpu.memory_space<hbm>> -> memref<80x128xf32, #tpu.memory_space<hbm>>
      %dma_wait3A_72 = arith.constant 0 : i32
      %dma_wait3A_73 = arith.constant 0 : i32
      %dma_wait3A_74 = tpu.memref_slice %arg2[%dma_wait3A_72, %dma_wait3A_73] : memref<20000x128xf32, #tpu.memory_space<hbm>> -> memref<80x128xf32, #tpu.memory_space<hbm>>
      tpu.wait_dma2 semaphore(%arg12 : memref<!tpu.dma_semaphore, #tpu.memory_space<semaphore_mem>>) src(%dma_wait3A_74 : memref<80x128xf32, #tpu.memory_space<hbm>>) dst(%arg10 : memref<80x128xf32, #tpu.memory_space<vmem>>)
      %mul3A_75 = arith.constant 80 : i32
      %mul3A_76 = arith.muli %mul3A_60, %mul3A_75 : i32
      "tpu.region"() ({
        %run_scoped3A = tpu.sem_alloc : memref<!tpu.dma_semaphore, #tpu.memory_space<semaphore_mem>>
        %dma_start3A_91 = tpu.memref_slice %arg9[%mul3A_76] : memref<10000xi32, #tpu.memory_space<vmem>> -> memref<80xi32, #tpu.memory_space<vmem>>
        %dma_start3A_92 = arith.constant 0 : i32
        %dma_start3A_93 = arith.constant 0 : i32
        %dma_start3A_94 = tpu.memref_slice %arg7[%dma_start3A_92, %dma_start3A_93] : memref<10240x128xf32, #tpu.memory_space<vmem_shared>> -> memref<10240x128xf32, #tpu.memory_space<vmem_shared>>
        tpu.enqueue_indirect_dma source(%arg10 : memref<80x128xf32, #tpu.memory_space<vmem>>) target(%dma_start3A_94 : memref<10240x128xf32, #tpu.memory_space<vmem_shared>>) offsets(%dma_start3A_91 : memref<80xi32, #tpu.memory_space<vmem>>) semaphore(%run_scoped3A : memref<!tpu.dma_semaphore, #tpu.memory_space<semaphore_mem>>) {add = true}
        %dma_wait3A_95 = tpu.memref_slice %arg9[%mul3A_76] : memref<10000xi32, #tpu.memory_space<vmem>> -> memref<80xi32, #tpu.memory_space<vmem>>
        %dma_wait3A_96 = arith.constant 0 : i32
        %dma_wait3A_97 = arith.constant 0 : i32
        %dma_wait3A_98 = tpu.memref_slice %arg7[%dma_wait3A_96, %dma_wait3A_97] : memref<10240x128xf32, #tpu.memory_space<vmem_shared>> -> memref<10240x128xf32, #tpu.memory_space<vmem_shared>>
        tpu.wait_indirect_dma semaphore(%run_scoped3A : memref<!tpu.dma_semaphore, #tpu.memory_space<semaphore_mem>>) src(%arg10 : memref<80x128xf32, #tpu.memory_space<vmem>>) dst(%dma_wait3A_98 : memref<10240x128xf32, #tpu.memory_space<vmem_shared>>)
        tpu.yield
      }) : () -> ()
      %add3A_77 = arith.constant 2 : i32
      %add3A_78 = arith.addi %mul3A_60, %add3A_77 : i32
      %lt3A = arith.constant 125 : i32
      %lt3A_79 = arith.cmpi slt, %add3A_78, %lt3A : i32
      %convert_element_type3A = arith.extui %lt3A_79 : i1 to i32
      %cond3A = arith.constant 0 : i32
      %cond3A_80 = arith.cmpi ne, %convert_element_type3A, %cond3A : i32
      scf.if %cond3A_80 {
        %add3A_91 = arith.constant 2 : i32
        %add3A_92 = arith.addi %mul3A_60, %add3A_91 : i32
        %mul3A_93 = arith.constant 80 : i32
        %mul3A_94 = arith.muli %add3A_92, %mul3A_93 : i32
        %dma_start3A_95 = tpu.memref_slice %arg8[%mul3A_94] : memref<10000xi32, #tpu.memory_space<vmem>> -> memref<80xi32, #tpu.memory_space<vmem>>
        %dma_start3A_96 = arith.constant 0 : i32
        %dma_start3A_97 = arith.constant 0 : i32
        %dma_start3A_98 = tpu.memref_slice %arg2[%dma_start3A_96, %dma_start3A_97] : memref<20000x128xf32, #tpu.memory_space<hbm>> -> memref<20000x128xf32, #tpu.memory_space<hbm>>
        tpu.enqueue_indirect_dma source(%dma_start3A_98 : memref<20000x128xf32, #tpu.memory_space<hbm>>) target(%arg10 : memref<80x128xf32, #tpu.memory_space<vmem>>) offsets(%dma_start3A_95 : memref<80xi32, #tpu.memory_space<vmem>>) semaphore(%arg12 : memref<!tpu.dma_semaphore, #tpu.memory_space<semaphore_mem>>)
      } else {
      }
      %dma_wait3A_81 = arith.constant 0 : i32
      %dma_wait3A_82 = arith.constant 0 : i32
      %dma_wait3A_83 = tpu.memref_slice %arg2[%dma_wait3A_81, %dma_wait3A_82] : memref<20000x128xf32, #tpu.memory_space<hbm>> -> memref<80x128xf32, #tpu.memory_space<hbm>>
      %dma_wait3A_84 = arith.constant 0 : i32
      %dma_wait3A_85 = arith.constant 0 : i32
      %dma_wait3A_86 = tpu.memref_slice %arg2[%dma_wait3A_84, %dma_wait3A_85] : memref<20000x128xf32, #tpu.memory_space<hbm>> -> memref<80x128xf32, #tpu.memory_space<hbm>>
      tpu.wait_dma2 semaphore(%arg13 : memref<!tpu.dma_semaphore, #tpu.memory_space<semaphore_mem>>) src(%dma_wait3A_86 : memref<80x128xf32, #tpu.memory_space<hbm>>) dst(%arg11 : memref<80x128xf32, #tpu.memory_space<vmem>>)
      %add3A_87 = arith.constant 1 : i32
      %add3A_88 = arith.addi %mul3A_60, %add3A_87 : i32
      %mul3A_89 = arith.constant 80 : i32
      %mul3A_90 = arith.muli %add3A_88, %mul3A_89 : i32
      "tpu.region"() ({
        %run_scoped3A = tpu.sem_alloc : memref<!tpu.dma_semaphore, #tpu.memory_space<semaphore_mem>>
        %dma_start3A_91 = tpu.memref_slice %arg9[%mul3A_90] : memref<10000xi32, #tpu.memory_space<vmem>> -> memref<80xi32, #tpu.memory_space<vmem>>
        %dma_start3A_92 = arith.constant 0 : i32
        %dma_start3A_93 = arith.constant 0 : i32
        %dma_start3A_94 = tpu.memref_slice %arg7[%dma_start3A_92, %dma_start3A_93] : memref<10240x128xf32, #tpu.memory_space<vmem_shared>> -> memref<10240x128xf32, #tpu.memory_space<vmem_shared>>
        tpu.enqueue_indirect_dma source(%arg11 : memref<80x128xf32, #tpu.memory_space<vmem>>) target(%dma_start3A_94 : memref<10240x128xf32, #tpu.memory_space<vmem_shared>>) offsets(%dma_start3A_91 : memref<80xi32, #tpu.memory_space<vmem>>) semaphore(%run_scoped3A : memref<!tpu.dma_semaphore, #tpu.memory_space<semaphore_mem>>) {add = true}
        %dma_wait3A_95 = tpu.memref_slice %arg9[%mul3A_90] : memref<10000xi32, #tpu.memory_space<vmem>> -> memref<80xi32, #tpu.memory_space<vmem>>
        %dma_wait3A_96 = arith.constant 0 : i32
        %dma_wait3A_97 = arith.constant 0 : i32
        %dma_wait3A_98 = tpu.memref_slice %arg7[%dma_wait3A_96, %dma_wait3A_97] : memref<10240x128xf32, #tpu.memory_space<vmem_shared>> -> memref<10240x128xf32, #tpu.memory_space<vmem_shared>>
        tpu.wait_indirect_dma semaphore(%run_scoped3A : memref<!tpu.dma_semaphore, #tpu.memory_space<semaphore_mem>>) src(%arg11 : memref<80x128xf32, #tpu.memory_space<vmem>>) dst(%dma_wait3A_98 : memref<10240x128xf32, #tpu.memory_space<vmem_shared>>)
        tpu.yield
      }) : () -> ()
    }
    %scan3A_20 = arith.constant 62 : i32
    %dma_wait3A = arith.constant 0 : i32
    %dma_wait3A_21 = arith.constant 0 : i32
    %dma_wait3A_22 = tpu.memref_slice %arg2[%dma_wait3A, %dma_wait3A_21] : memref<20000x128xf32, #tpu.memory_space<hbm>> -> memref<80x128xf32, #tpu.memory_space<hbm>>
    %dma_wait3A_23 = arith.constant 0 : i32
    %dma_wait3A_24 = arith.constant 0 : i32
    %dma_wait3A_25 = tpu.memref_slice %arg2[%dma_wait3A_23, %dma_wait3A_24] : memref<20000x128xf32, #tpu.memory_space<hbm>> -> memref<80x128xf32, #tpu.memory_space<hbm>>
    tpu.wait_dma2 semaphore(%arg12 : memref<!tpu.dma_semaphore, #tpu.memory_space<semaphore_mem>>) src(%dma_wait3A_25 : memref<80x128xf32, #tpu.memory_space<hbm>>) dst(%arg10 : memref<80x128xf32, #tpu.memory_space<vmem>>)
    "tpu.region"() ({
      %run_scoped3A = tpu.sem_alloc : memref<!tpu.dma_semaphore, #tpu.memory_space<semaphore_mem>>
      %dma_start3A_54 = arith.constant 9920 : i32
      %dma_start3A_55 = tpu.memref_slice %arg9[%dma_start3A_54] : memref<10000xi32, #tpu.memory_space<vmem>> -> memref<80xi32, #tpu.memory_space<vmem>>
      %dma_start3A_56 = arith.constant 0 : i32
      %dma_start3A_57 = arith.constant 0 : i32
      %dma_start3A_58 = tpu.memref_slice %arg7[%dma_start3A_56, %dma_start3A_57] : memref<10240x128xf32, #tpu.memory_space<vmem_shared>> -> memref<10240x128xf32, #tpu.memory_space<vmem_shared>>
      tpu.enqueue_indirect_dma source(%arg10 : memref<80x128xf32, #tpu.memory_space<vmem>>) target(%dma_start3A_58 : memref<10240x128xf32, #tpu.memory_space<vmem_shared>>) offsets(%dma_start3A_55 : memref<80xi32, #tpu.memory_space<vmem>>) semaphore(%run_scoped3A : memref<!tpu.dma_semaphore, #tpu.memory_space<semaphore_mem>>) {add = true}
      %dma_wait3A_59 = arith.constant 9920 : i32
      %dma_wait3A_60 = tpu.memref_slice %arg9[%dma_wait3A_59] : memref<10000xi32, #tpu.memory_space<vmem>> -> memref<80xi32, #tpu.memory_space<vmem>>
      %dma_wait3A_61 = arith.constant 0 : i32
      %dma_wait3A_62 = arith.constant 0 : i32
      %dma_wait3A_63 = tpu.memref_slice %arg7[%dma_wait3A_61, %dma_wait3A_62] : memref<10240x128xf32, #tpu.memory_space<vmem_shared>> -> memref<10240x128xf32, #tpu.memory_space<vmem_shared>>
      tpu.wait_indirect_dma semaphore(%run_scoped3A : memref<!tpu.dma_semaphore, #tpu.memory_space<semaphore_mem>>) src(%arg10 : memref<80x128xf32, #tpu.memory_space<vmem>>) dst(%dma_wait3A_63 : memref<10240x128xf32, #tpu.memory_space<vmem_shared>>)
      tpu.yield
    }) : () -> ()
    %add3A_26 = arith.constant 10000 : i32
    %add3A_27 = arith.addi %add3A, %add3A_26 : i32
    %add3A_28 = arith.constant 10000 : i32
    %add3A_29 = arith.addi %mul3A_8, %add3A_28 : i32
    "tpu.region"() ({
      %run_scoped3A = tpu.sem_alloc : memref<!tpu.dma_semaphore, #tpu.memory_space<semaphore_mem>>
      %dma_start3A_54 = tpu.memref_slice %arg3[%add3A_27] : memref<640000xi32, #tpu.memory_space<hbm>> -> memref<10000xi32, #tpu.memory_space<hbm>>
      %dma_start3A_55 = tpu.memref_slice %arg3[%add3A_27] : memref<640000xi32, #tpu.memory_space<hbm>> -> memref<10000xi32, #tpu.memory_space<hbm>>
      tpu.enqueue_dma source(%dma_start3A_55 : memref<10000xi32, #tpu.memory_space<hbm>>) target(%arg8 : memref<10000xi32, #tpu.memory_space<vmem>>) target_semaphore(%run_scoped3A : memref<!tpu.dma_semaphore, #tpu.memory_space<semaphore_mem>>)
      %dma_wait3A_56 = tpu.memref_slice %arg3[%add3A_27] : memref<640000xi32, #tpu.memory_space<hbm>> -> memref<10000xi32, #tpu.memory_space<hbm>>
      %dma_wait3A_57 = tpu.memref_slice %arg3[%add3A_27] : memref<640000xi32, #tpu.memory_space<hbm>> -> memref<10000xi32, #tpu.memory_space<hbm>>
      tpu.wait_dma2 semaphore(%run_scoped3A : memref<!tpu.dma_semaphore, #tpu.memory_space<semaphore_mem>>) src(%dma_wait3A_57 : memref<10000xi32, #tpu.memory_space<hbm>>) dst(%arg8 : memref<10000xi32, #tpu.memory_space<vmem>>)
      tpu.yield
    }) : () -> ()
    "tpu.region"() ({
      %run_scoped3A = tpu.sem_alloc : memref<!tpu.dma_semaphore, #tpu.memory_space<semaphore_mem>>
      %dma_start3A_54 = tpu.memref_slice %arg4[%add3A_29] : memref<320000xi32, #tpu.memory_space<hbm>> -> memref<10000xi32, #tpu.memory_space<hbm>>
      %dma_start3A_55 = tpu.memref_slice %arg4[%add3A_29] : memref<320000xi32, #tpu.memory_space<hbm>> -> memref<10000xi32, #tpu.memory_space<hbm>>
      tpu.enqueue_dma source(%dma_start3A_55 : memref<10000xi32, #tpu.memory_space<hbm>>) target(%arg9 : memref<10000xi32, #tpu.memory_space<vmem>>) target_semaphore(%run_scoped3A : memref<!tpu.dma_semaphore, #tpu.memory_space<semaphore_mem>>)
      %dma_wait3A_56 = tpu.memref_slice %arg4[%add3A_29] : memref<320000xi32, #tpu.memory_space<hbm>> -> memref<10000xi32, #tpu.memory_space<hbm>>
      %dma_wait3A_57 = tpu.memref_slice %arg4[%add3A_29] : memref<320000xi32, #tpu.memory_space<hbm>> -> memref<10000xi32, #tpu.memory_space<hbm>>
      tpu.wait_dma2 semaphore(%run_scoped3A : memref<!tpu.dma_semaphore, #tpu.memory_space<semaphore_mem>>) src(%dma_wait3A_57 : memref<10000xi32, #tpu.memory_space<hbm>>) dst(%arg9 : memref<10000xi32, #tpu.memory_space<vmem>>)
      tpu.yield
    }) : () -> ()
    %dma_start3A_30 = arith.constant 0 : i32
    %dma_start3A_31 = tpu.memref_slice %arg8[%dma_start3A_30] : memref<10000xi32, #tpu.memory_space<vmem>> -> memref<80xi32, #tpu.memory_space<vmem>>
    %dma_start3A_32 = arith.constant 0 : i32
    %dma_start3A_33 = arith.constant 0 : i32
    %dma_start3A_34 = tpu.memref_slice %arg2[%dma_start3A_32, %dma_start3A_33] : memref<20000x128xf32, #tpu.memory_space<hbm>> -> memref<20000x128xf32, #tpu.memory_space<hbm>>
    tpu.enqueue_indirect_dma source(%dma_start3A_34 : memref<20000x128xf32, #tpu.memory_space<hbm>>) target(%arg10 : memref<80x128xf32, #tpu.memory_space<vmem>>) offsets(%dma_start3A_31 : memref<80xi32, #tpu.memory_space<vmem>>) semaphore(%arg12 : memref<!tpu.dma_semaphore, #tpu.memory_space<semaphore_mem>>)
    %scan3A_35 = arith.constant 0 : i32
    %scan3A_36 = arith.constant 62 : i32
    %scan3A_37 = arith.addi %scan3A_35, %scan3A_36 : i32
    %scan3A_38 = arith.constant 1 : i32
    scf.for %scan3A_54 = %scan3A_35 to %scan3A_37 step %scan3A_38  : i32 {
      %mul3A_55 = arith.constant 1 : i32
      %mul3A_56 = arith.muli %scan3A_54, %mul3A_55 : i32
      %add3A_57 = arith.constant 0 : i32
      %add3A_58 = arith.addi %add3A_57, %mul3A_56 : i32
      %mul3A_59 = arith.constant 2 : i32
      %mul3A_60 = arith.muli %mul3A_59, %add3A_58 : i32
      %add3A_61 = arith.constant 1 : i32
      %add3A_62 = arith.addi %mul3A_60, %add3A_61 : i32
      %mul3A_63 = arith.constant 80 : i32
      %mul3A_64 = arith.muli %add3A_62, %mul3A_63 : i32
      %dma_start3A_65 = tpu.memref_slice %arg8[%mul3A_64] : memref<10000xi32, #tpu.memory_space<vmem>> -> memref<80xi32, #tpu.memory_space<vmem>>
      %dma_start3A_66 = arith.constant 0 : i32
      %dma_start3A_67 = arith.constant 0 : i32
      %dma_start3A_68 = tpu.memref_slice %arg2[%dma_start3A_66, %dma_start3A_67] : memref<20000x128xf32, #tpu.memory_space<hbm>> -> memref<20000x128xf32, #tpu.memory_space<hbm>>
      tpu.enqueue_indirect_dma source(%dma_start3A_68 : memref<20000x128xf32, #tpu.memory_space<hbm>>) target(%arg11 : memref<80x128xf32, #tpu.memory_space<vmem>>) offsets(%dma_start3A_65 : memref<80xi32, #tpu.memory_space<vmem>>) semaphore(%arg13 : memref<!tpu.dma_semaphore, #tpu.memory_space<semaphore_mem>>)
      %dma_wait3A_69 = arith.constant 0 : i32
      %dma_wait3A_70 = arith.constant 0 : i32
      %dma_wait3A_71 = tpu.memref_slice %arg2[%dma_wait3A_69, %dma_wait3A_70] : memref<20000x128xf32, #tpu.memory_space<hbm>> -> memref<80x128xf32, #tpu.memory_space<hbm>>
      %dma_wait3A_72 = arith.constant 0 : i32
      %dma_wait3A_73 = arith.constant 0 : i32
      %dma_wait3A_74 = tpu.memref_slice %arg2[%dma_wait3A_72, %dma_wait3A_73] : memref<20000x128xf32, #tpu.memory_space<hbm>> -> memref<80x128xf32, #tpu.memory_space<hbm>>
      tpu.wait_dma2 semaphore(%arg12 : memref<!tpu.dma_semaphore, #tpu.memory_space<semaphore_mem>>) src(%dma_wait3A_74 : memref<80x128xf32, #tpu.memory_space<hbm>>) dst(%arg10 : memref<80x128xf32, #tpu.memory_space<vmem>>)
      %mul3A_75 = arith.constant 80 : i32
      %mul3A_76 = arith.muli %mul3A_60, %mul3A_75 : i32
      "tpu.region"() ({
        %run_scoped3A = tpu.sem_alloc : memref<!tpu.dma_semaphore, #tpu.memory_space<semaphore_mem>>
        %dma_start3A_91 = tpu.memref_slice %arg9[%mul3A_76] : memref<10000xi32, #tpu.memory_space<vmem>> -> memref<80xi32, #tpu.memory_space<vmem>>
        %dma_start3A_92 = arith.constant 0 : i32
        %dma_start3A_93 = arith.constant 0 : i32
        %dma_start3A_94 = tpu.memref_slice %arg7[%dma_start3A_92, %dma_start3A_93] : memref<10240x128xf32, #tpu.memory_space<vmem_shared>> -> memref<10240x128xf32, #tpu.memory_space<vmem_shared>>
        tpu.enqueue_indirect_dma source(%arg10 : memref<80x128xf32, #tpu.memory_space<vmem>>) target(%dma_start3A_94 : memref<10240x128xf32, #tpu.memory_space<vmem_shared>>) offsets(%dma_start3A_91 : memref<80xi32, #tpu.memory_space<vmem>>) semaphore(%run_scoped3A : memref<!tpu.dma_semaphore, #tpu.memory_space<semaphore_mem>>) {add = true}
        %dma_wait3A_95 = tpu.memref_slice %arg9[%mul3A_76] : memref<10000xi32, #tpu.memory_space<vmem>> -> memref<80xi32, #tpu.memory_space<vmem>>
        %dma_wait3A_96 = arith.constant 0 : i32
        %dma_wait3A_97 = arith.constant 0 : i32
        %dma_wait3A_98 = tpu.memref_slice %arg7[%dma_wait3A_96, %dma_wait3A_97] : memref<10240x128xf32, #tpu.memory_space<vmem_shared>> -> memref<10240x128xf32, #tpu.memory_space<vmem_shared>>
        tpu.wait_indirect_dma semaphore(%run_scoped3A : memref<!tpu.dma_semaphore, #tpu.memory_space<semaphore_mem>>) src(%arg10 : memref<80x128xf32, #tpu.memory_space<vmem>>) dst(%dma_wait3A_98 : memref<10240x128xf32, #tpu.memory_space<vmem_shared>>)
        tpu.yield
      }) : () -> ()
      %add3A_77 = arith.constant 2 : i32
      %add3A_78 = arith.addi %mul3A_60, %add3A_77 : i32
      %lt3A = arith.constant 125 : i32
      %lt3A_79 = arith.cmpi slt, %add3A_78, %lt3A : i32
      %convert_element_type3A = arith.extui %lt3A_79 : i1 to i32
      %cond3A = arith.constant 0 : i32
      %cond3A_80 = arith.cmpi ne, %convert_element_type3A, %cond3A : i32
      scf.if %cond3A_80 {
        %add3A_91 = arith.constant 2 : i32
        %add3A_92 = arith.addi %mul3A_60, %add3A_91 : i32
        %mul3A_93 = arith.constant 80 : i32
        %mul3A_94 = arith.muli %add3A_92, %mul3A_93 : i32
        %dma_start3A_95 = tpu.memref_slice %arg8[%mul3A_94] : memref<10000xi32, #tpu.memory_space<vmem>> -> memref<80xi32, #tpu.memory_space<vmem>>
        %dma_start3A_96 = arith.constant 0 : i32
        %dma_start3A_97 = arith.constant 0 : i32
        %dma_start3A_98 = tpu.memref_slice %arg2[%dma_start3A_96, %dma_start3A_97] : memref<20000x128xf32, #tpu.memory_space<hbm>> -> memref<20000x128xf32, #tpu.memory_space<hbm>>
        tpu.enqueue_indirect_dma source(%dma_start3A_98 : memref<20000x128xf32, #tpu.memory_space<hbm>>) target(%arg10 : memref<80x128xf32, #tpu.memory_space<vmem>>) offsets(%dma_start3A_95 : memref<80xi32, #tpu.memory_space<vmem>>) semaphore(%arg12 : memref<!tpu.dma_semaphore, #tpu.memory_space<semaphore_mem>>)
      } else {
      }
      %dma_wait3A_81 = arith.constant 0 : i32
      %dma_wait3A_82 = arith.constant 0 : i32
      %dma_wait3A_83 = tpu.memref_slice %arg2[%dma_wait3A_81, %dma_wait3A_82] : memref<20000x128xf32, #tpu.memory_space<hbm>> -> memref<80x128xf32, #tpu.memory_space<hbm>>
      %dma_wait3A_84 = arith.constant 0 : i32
      %dma_wait3A_85 = arith.constant 0 : i32
      %dma_wait3A_86 = tpu.memref_slice %arg2[%dma_wait3A_84, %dma_wait3A_85] : memref<20000x128xf32, #tpu.memory_space<hbm>> -> memref<80x128xf32, #tpu.memory_space<hbm>>
      tpu.wait_dma2 semaphore(%arg13 : memref<!tpu.dma_semaphore, #tpu.memory_space<semaphore_mem>>) src(%dma_wait3A_86 : memref<80x128xf32, #tpu.memory_space<hbm>>) dst(%arg11 : memref<80x128xf32, #tpu.memory_space<vmem>>)
      %add3A_87 = arith.constant 1 : i32
      %add3A_88 = arith.addi %mul3A_60, %add3A_87 : i32
      %mul3A_89 = arith.constant 80 : i32
      %mul3A_90 = arith.muli %add3A_88, %mul3A_89 : i32
      "tpu.region"() ({
        %run_scoped3A = tpu.sem_alloc : memref<!tpu.dma_semaphore, #tpu.memory_space<semaphore_mem>>
        %dma_start3A_91 = tpu.memref_slice %arg9[%mul3A_90] : memref<10000xi32, #tpu.memory_space<vmem>> -> memref<80xi32, #tpu.memory_space<vmem>>
        %dma_start3A_92 = arith.constant 0 : i32
        %dma_start3A_93 = arith.constant 0 : i32
        %dma_start3A_94 = tpu.memref_slice %arg7[%dma_start3A_92, %dma_start3A_93] : memref<10240x128xf32, #tpu.memory_space<vmem_shared>> -> memref<10240x128xf32, #tpu.memory_space<vmem_shared>>
        tpu.enqueue_indirect_dma source(%arg11 : memref<80x128xf32, #tpu.memory_space<vmem>>) target(%dma_start3A_94 : memref<10240x128xf32, #tpu.memory_space<vmem_shared>>) offsets(%dma_start3A_91 : memref<80xi32, #tpu.memory_space<vmem>>) semaphore(%run_scoped3A : memref<!tpu.dma_semaphore, #tpu.memory_space<semaphore_mem>>) {add = true}
        %dma_wait3A_95 = tpu.memref_slice %arg9[%mul3A_90] : memref<10000xi32, #tpu.memory_space<vmem>> -> memref<80xi32, #tpu.memory_space<vmem>>
        %dma_wait3A_96 = arith.constant 0 : i32
        %dma_wait3A_97 = arith.constant 0 : i32
        %dma_wait3A_98 = tpu.memref_slice %arg7[%dma_wait3A_96, %dma_wait3A_97] : memref<10240x128xf32, #tpu.memory_space<vmem_shared>> -> memref<10240x128xf32, #tpu.memory_space<vmem_shared>>
        tpu.wait_indirect_dma semaphore(%run_scoped3A : memref<!tpu.dma_semaphore, #tpu.memory_space<semaphore_mem>>) src(%arg11 : memref<80x128xf32, #tpu.memory_space<vmem>>) dst(%dma_wait3A_98 : memref<10240x128xf32, #tpu.memory_space<vmem_shared>>)
        tpu.yield
      }) : () -> ()
    }
    %scan3A_39 = arith.constant 62 : i32
    %dma_wait3A_40 = arith.constant 0 : i32
    %dma_wait3A_41 = arith.constant 0 : i32
    %dma_wait3A_42 = tpu.memref_slice %arg2[%dma_wait3A_40, %dma_wait3A_41] : memref<20000x128xf32, #tpu.memory_space<hbm>> -> memref<80x128xf32, #tpu.memory_space<hbm>>
    %dma_wait3A_43 = arith.constant 0 : i32
    %dma_wait3A_44 = arith.constant 0 : i32
    %dma_wait3A_45 = tpu.memref_slice %arg2[%dma_wait3A_43, %dma_wait3A_44] : memref<20000x128xf32, #tpu.memory_space<hbm>> -> memref<80x128xf32, #tpu.memory_space<hbm>>
    tpu.wait_dma2 semaphore(%arg12 : memref<!tpu.dma_semaphore, #tpu.memory_space<semaphore_mem>>) src(%dma_wait3A_45 : memref<80x128xf32, #tpu.memory_space<hbm>>) dst(%arg10 : memref<80x128xf32, #tpu.memory_space<vmem>>)
    "tpu.region"() ({
      %run_scoped3A = tpu.sem_alloc : memref<!tpu.dma_semaphore, #tpu.memory_space<semaphore_mem>>
      %dma_start3A_54 = arith.constant 9920 : i32
      %dma_start3A_55 = tpu.memref_slice %arg9[%dma_start3A_54] : memref<10000xi32, #tpu.memory_space<vmem>> -> memref<80xi32, #tpu.memory_space<vmem>>
      %dma_start3A_56 = arith.constant 0 : i32
      %dma_start3A_57 = arith.constant 0 : i32
      %dma_start3A_58 = tpu.memref_slice %arg7[%dma_start3A_56, %dma_start3A_57] : memref<10240x128xf32, #tpu.memory_space<vmem_shared>> -> memref<10240x128xf32, #tpu.memory_space<vmem_shared>>
      tpu.enqueue_indirect_dma source(%arg10 : memref<80x128xf32, #tpu.memory_space<vmem>>) target(%dma_start3A_58 : memref<10240x128xf32, #tpu.memory_space<vmem_shared>>) offsets(%dma_start3A_55 : memref<80xi32, #tpu.memory_space<vmem>>) semaphore(%run_scoped3A : memref<!tpu.dma_semaphore, #tpu.memory_space<semaphore_mem>>) {add = true}
      %dma_wait3A_59 = arith.constant 9920 : i32
      %dma_wait3A_60 = tpu.memref_slice %arg9[%dma_wait3A_59] : memref<10000xi32, #tpu.memory_space<vmem>> -> memref<80xi32, #tpu.memory_space<vmem>>
      %dma_wait3A_61 = arith.constant 0 : i32
      %dma_wait3A_62 = arith.constant 0 : i32
      %dma_wait3A_63 = tpu.memref_slice %arg7[%dma_wait3A_61, %dma_wait3A_62] : memref<10240x128xf32, #tpu.memory_space<vmem_shared>> -> memref<10240x128xf32, #tpu.memory_space<vmem_shared>>
      tpu.wait_indirect_dma semaphore(%run_scoped3A : memref<!tpu.dma_semaphore, #tpu.memory_space<semaphore_mem>>) src(%arg10 : memref<80x128xf32, #tpu.memory_space<vmem>>) dst(%dma_wait3A_63 : memref<10240x128xf32, #tpu.memory_space<vmem_shared>>)
      tpu.yield
    }) : () -> ()
    %barrier3A_46 = arith.constant 0 : index
    tpu.barrier barrier_id(%barrier3A_46)
    %mul3A_47 = arith.constant 640 : i32
    %mul3A_48 = arith.muli %arg1, %mul3A_47 : i32
    %mul3A_49 = arith.constant 10240 : i32
    %mul3A_50 = arith.muli %arg0, %mul3A_49 : i32
    %mul3A_51 = arith.constant 640 : i32
    %mul3A_52 = arith.muli %arg1, %mul3A_51 : i32
    %add3A_53 = arith.addi %mul3A_50, %mul3A_52 : i32
    "tpu.region"() ({
      %run_scoped3A = tpu.sem_alloc : memref<!tpu.dma_semaphore, #tpu.memory_space<semaphore_mem>>
      %dma_start3A_54 = arith.constant 0 : i32
      %dma_start3A_55 = tpu.memref_slice %arg6[%add3A_53, %dma_start3A_54] : memref<20480x128xf32, #tpu.memory_space<hbm>> -> memref<640x128xf32, #tpu.memory_space<hbm>>
      %dma_start3A_56 = arith.constant 0 : i32
      %dma_start3A_57 = tpu.memref_slice %arg7[%mul3A_48, %dma_start3A_56] : memref<10240x128xf32, #tpu.memory_space<vmem_shared>> -> memref<640x128xf32, #tpu.memory_space<vmem_shared>>
      tpu.enqueue_dma source(%dma_start3A_57 : memref<640x128xf32, #tpu.memory_space<vmem_shared>>) target(%dma_start3A_55 : memref<640x128xf32, #tpu.memory_space<hbm>>) target_semaphore(%run_scoped3A : memref<!tpu.dma_semaphore, #tpu.memory_space<semaphore_mem>>)
      %dma_wait3A_58 = arith.constant 0 : i32
      %dma_wait3A_59 = tpu.memref_slice %arg6[%add3A_53, %dma_wait3A_58] : memref<20480x128xf32, #tpu.memory_space<hbm>> -> memref<640x128xf32, #tpu.memory_space<hbm>>
      %dma_wait3A_60 = arith.constant 0 : i32
      %dma_wait3A_61 = tpu.memref_slice %arg7[%mul3A_48, %dma_wait3A_60] : memref<10240x128xf32, #tpu.memory_space<vmem_shared>> -> memref<640x128xf32, #tpu.memory_space<vmem_shared>>
      tpu.wait_dma2 semaphore(%run_scoped3A : memref<!tpu.dma_semaphore, #tpu.memory_space<semaphore_mem>>) src(%dma_wait3A_61 : memref<640x128xf32, #tpu.memory_space<vmem_shared>>) dst(%dma_wait3A_59 : memref<640x128xf32, #tpu.memory_space<hbm>>)
      tpu.yield
    }) : () -> ()
    return
  }
}

#map = affine_map<(d0, d1) -> (0, 0)>
#map1 = affine_map<(d0, d1) -> (0)>
module attributes {stable_mosaic.version = 14 : i64} {
  func.func @_agg_split_body(%arg0: i32, %arg1: i32, %arg2: memref<10000x128xf32, #tpu.memory_space<hbm>>, %arg3: memref<320000xi32, #tpu.memory_space<hbm>>, %arg4: memref<320000xi32, #tpu.memory_space<hbm>>, %arg5: memref<10240x128xf32, #tpu.memory_space<hbm>>, %arg6: memref<20480x128xf32, #tpu.memory_space<hbm>>, %arg7: memref<10240x128xf32, #tpu.memory_space<vmem_shared>>, %arg8: memref<10000xi32, #tpu.memory_space<vmem>>, %arg9: memref<10000xi32, #tpu.memory_space<vmem>>, %arg10: memref<80x128xf32, #tpu.memory_space<vmem>>, %arg11: memref<80x128xf32, #tpu.memory_space<vmem>>, %arg12: memref<!tpu.dma_semaphore, #tpu.memory_space<semaphore_mem>>, %arg13: memref<!tpu.dma_semaphore, #tpu.memory_space<semaphore_mem>>) attributes {dimension_semantics = [#tpu.dimension_semantics<core_parallel>, #tpu.dimension_semantics<subcore_parallel>], iteration_bounds = array<i64: 2, 16>, scalar_prefetch = 0 : i64, scratch_operands = 7 : i64, tpu.core_type = #tpu.core_type<sc_vector_subcore>, window_params = [{transform_indices = #map}, {transform_indices = #map1}, {transform_indices = #map1}, {transform_indices = #map}, {transform_indices = #map}]} {
    %mul3A = arith.constant 640 : i32
    %mul3A_0 = arith.muli %arg1, %mul3A : i32
    %mul3A_1 = arith.constant 640 : i32
    %mul3A_2 = arith.muli %arg1, %mul3A_1 : i32
    "tpu.region"() ({
      %run_scoped3A = tpu.sem_alloc : memref<!tpu.dma_semaphore, #tpu.memory_space<semaphore_mem>>
      %dma_start3A_32 = arith.constant 0 : i32
      %dma_start3A_33 = tpu.memref_slice %arg7[%mul3A_2, %dma_start3A_32] : memref<10240x128xf32, #tpu.memory_space<vmem_shared>> -> memref<640x128xf32, #tpu.memory_space<vmem_shared>>
      %dma_start3A_34 = arith.constant 0 : i32
      %dma_start3A_35 = tpu.memref_slice %arg5[%mul3A_0, %dma_start3A_34] : memref<10240x128xf32, #tpu.memory_space<hbm>> -> memref<640x128xf32, #tpu.memory_space<hbm>>
      tpu.enqueue_dma source(%dma_start3A_35 : memref<640x128xf32, #tpu.memory_space<hbm>>) target(%dma_start3A_33 : memref<640x128xf32, #tpu.memory_space<vmem_shared>>) target_semaphore(%run_scoped3A : memref<!tpu.dma_semaphore, #tpu.memory_space<semaphore_mem>>)
      %dma_wait3A_36 = arith.constant 0 : i32
      %dma_wait3A_37 = tpu.memref_slice %arg7[%mul3A_2, %dma_wait3A_36] : memref<10240x128xf32, #tpu.memory_space<vmem_shared>> -> memref<640x128xf32, #tpu.memory_space<vmem_shared>>
      %dma_wait3A_38 = arith.constant 0 : i32
      %dma_wait3A_39 = tpu.memref_slice %arg5[%mul3A_0, %dma_wait3A_38] : memref<10240x128xf32, #tpu.memory_space<hbm>> -> memref<640x128xf32, #tpu.memory_space<hbm>>
      tpu.wait_dma2 semaphore(%run_scoped3A : memref<!tpu.dma_semaphore, #tpu.memory_space<semaphore_mem>>) src(%dma_wait3A_39 : memref<640x128xf32, #tpu.memory_space<hbm>>) dst(%dma_wait3A_37 : memref<640x128xf32, #tpu.memory_space<vmem_shared>>)
      tpu.yield
    }) : () -> ()
    %barrier3A = arith.constant 0 : index
    tpu.barrier barrier_id(%barrier3A)
    %mul3A_3 = arith.constant 16 : i32
    %mul3A_4 = arith.muli %arg0, %mul3A_3 : i32
    %add3A = arith.addi %mul3A_4, %arg1 : i32
    %mul3A_5 = arith.constant 10000 : i32
    %mul3A_6 = arith.muli %add3A, %mul3A_5 : i32
    %add3A_7 = arith.constant 0 : i32
    %add3A_8 = arith.addi %mul3A_6, %add3A_7 : i32
    %add3A_9 = arith.constant 0 : i32
    %add3A_10 = arith.addi %mul3A_6, %add3A_9 : i32
    "tpu.region"() ({
      %run_scoped3A = tpu.sem_alloc : memref<!tpu.dma_semaphore, #tpu.memory_space<semaphore_mem>>
      %dma_start3A_32 = tpu.memref_slice %arg3[%add3A_8] : memref<320000xi32, #tpu.memory_space<hbm>> -> memref<10000xi32, #tpu.memory_space<hbm>>
      %dma_start3A_33 = tpu.memref_slice %arg3[%add3A_8] : memref<320000xi32, #tpu.memory_space<hbm>> -> memref<10000xi32, #tpu.memory_space<hbm>>
      tpu.enqueue_dma source(%dma_start3A_33 : memref<10000xi32, #tpu.memory_space<hbm>>) target(%arg8 : memref<10000xi32, #tpu.memory_space<vmem>>) target_semaphore(%run_scoped3A : memref<!tpu.dma_semaphore, #tpu.memory_space<semaphore_mem>>)
      %dma_wait3A_34 = tpu.memref_slice %arg3[%add3A_8] : memref<320000xi32, #tpu.memory_space<hbm>> -> memref<10000xi32, #tpu.memory_space<hbm>>
      %dma_wait3A_35 = tpu.memref_slice %arg3[%add3A_8] : memref<320000xi32, #tpu.memory_space<hbm>> -> memref<10000xi32, #tpu.memory_space<hbm>>
      tpu.wait_dma2 semaphore(%run_scoped3A : memref<!tpu.dma_semaphore, #tpu.memory_space<semaphore_mem>>) src(%dma_wait3A_35 : memref<10000xi32, #tpu.memory_space<hbm>>) dst(%arg8 : memref<10000xi32, #tpu.memory_space<vmem>>)
      tpu.yield
    }) : () -> ()
    "tpu.region"() ({
      %run_scoped3A = tpu.sem_alloc : memref<!tpu.dma_semaphore, #tpu.memory_space<semaphore_mem>>
      %dma_start3A_32 = tpu.memref_slice %arg4[%add3A_10] : memref<320000xi32, #tpu.memory_space<hbm>> -> memref<10000xi32, #tpu.memory_space<hbm>>
      %dma_start3A_33 = tpu.memref_slice %arg4[%add3A_10] : memref<320000xi32, #tpu.memory_space<hbm>> -> memref<10000xi32, #tpu.memory_space<hbm>>
      tpu.enqueue_dma source(%dma_start3A_33 : memref<10000xi32, #tpu.memory_space<hbm>>) target(%arg9 : memref<10000xi32, #tpu.memory_space<vmem>>) target_semaphore(%run_scoped3A : memref<!tpu.dma_semaphore, #tpu.memory_space<semaphore_mem>>)
      %dma_wait3A_34 = tpu.memref_slice %arg4[%add3A_10] : memref<320000xi32, #tpu.memory_space<hbm>> -> memref<10000xi32, #tpu.memory_space<hbm>>
      %dma_wait3A_35 = tpu.memref_slice %arg4[%add3A_10] : memref<320000xi32, #tpu.memory_space<hbm>> -> memref<10000xi32, #tpu.memory_space<hbm>>
      tpu.wait_dma2 semaphore(%run_scoped3A : memref<!tpu.dma_semaphore, #tpu.memory_space<semaphore_mem>>) src(%dma_wait3A_35 : memref<10000xi32, #tpu.memory_space<hbm>>) dst(%arg9 : memref<10000xi32, #tpu.memory_space<vmem>>)
      tpu.yield
    }) : () -> ()
    %dma_start3A = arith.constant 0 : i32
    %dma_start3A_11 = tpu.memref_slice %arg8[%dma_start3A] : memref<10000xi32, #tpu.memory_space<vmem>> -> memref<80xi32, #tpu.memory_space<vmem>>
    %dma_start3A_12 = arith.constant 0 : i32
    %dma_start3A_13 = arith.constant 0 : i32
    %dma_start3A_14 = tpu.memref_slice %arg2[%dma_start3A_12, %dma_start3A_13] : memref<10000x128xf32, #tpu.memory_space<hbm>> -> memref<10000x128xf32, #tpu.memory_space<hbm>>
    tpu.enqueue_indirect_dma source(%dma_start3A_14 : memref<10000x128xf32, #tpu.memory_space<hbm>>) target(%arg10 : memref<80x128xf32, #tpu.memory_space<vmem>>) offsets(%dma_start3A_11 : memref<80xi32, #tpu.memory_space<vmem>>) semaphore(%arg12 : memref<!tpu.dma_semaphore, #tpu.memory_space<semaphore_mem>>)
    %scan3A = arith.constant 0 : i32
    %scan3A_15 = arith.constant 62 : i32
    %scan3A_16 = arith.addi %scan3A, %scan3A_15 : i32
    %scan3A_17 = arith.constant 1 : i32
    scf.for %scan3A_32 = %scan3A to %scan3A_16 step %scan3A_17  : i32 {
      %mul3A_33 = arith.constant 1 : i32
      %mul3A_34 = arith.muli %scan3A_32, %mul3A_33 : i32
      %add3A_35 = arith.constant 0 : i32
      %add3A_36 = arith.addi %add3A_35, %mul3A_34 : i32
      %mul3A_37 = arith.constant 2 : i32
      %mul3A_38 = arith.muli %mul3A_37, %add3A_36 : i32
      %add3A_39 = arith.constant 1 : i32
      %add3A_40 = arith.addi %mul3A_38, %add3A_39 : i32
      %mul3A_41 = arith.constant 80 : i32
      %mul3A_42 = arith.muli %add3A_40, %mul3A_41 : i32
      %dma_start3A_43 = tpu.memref_slice %arg8[%mul3A_42] : memref<10000xi32, #tpu.memory_space<vmem>> -> memref<80xi32, #tpu.memory_space<vmem>>
      %dma_start3A_44 = arith.constant 0 : i32
      %dma_start3A_45 = arith.constant 0 : i32
      %dma_start3A_46 = tpu.memref_slice %arg2[%dma_start3A_44, %dma_start3A_45] : memref<10000x128xf32, #tpu.memory_space<hbm>> -> memref<10000x128xf32, #tpu.memory_space<hbm>>
      tpu.enqueue_indirect_dma source(%dma_start3A_46 : memref<10000x128xf32, #tpu.memory_space<hbm>>) target(%arg11 : memref<80x128xf32, #tpu.memory_space<vmem>>) offsets(%dma_start3A_43 : memref<80xi32, #tpu.memory_space<vmem>>) semaphore(%arg13 : memref<!tpu.dma_semaphore, #tpu.memory_space<semaphore_mem>>)
      %dma_wait3A_47 = arith.constant 0 : i32
      %dma_wait3A_48 = arith.constant 0 : i32
      %dma_wait3A_49 = tpu.memref_slice %arg2[%dma_wait3A_47, %dma_wait3A_48] : memref<10000x128xf32, #tpu.memory_space<hbm>> -> memref<80x128xf32, #tpu.memory_space<hbm>>
      %dma_wait3A_50 = arith.constant 0 : i32
      %dma_wait3A_51 = arith.constant 0 : i32
      %dma_wait3A_52 = tpu.memref_slice %arg2[%dma_wait3A_50, %dma_wait3A_51] : memref<10000x128xf32, #tpu.memory_space<hbm>> -> memref<80x128xf32, #tpu.memory_space<hbm>>
      tpu.wait_dma2 semaphore(%arg12 : memref<!tpu.dma_semaphore, #tpu.memory_space<semaphore_mem>>) src(%dma_wait3A_52 : memref<80x128xf32, #tpu.memory_space<hbm>>) dst(%arg10 : memref<80x128xf32, #tpu.memory_space<vmem>>)
      %mul3A_53 = arith.constant 80 : i32
      %mul3A_54 = arith.muli %mul3A_38, %mul3A_53 : i32
      "tpu.region"() ({
        %run_scoped3A = tpu.sem_alloc : memref<!tpu.dma_semaphore, #tpu.memory_space<semaphore_mem>>
        %dma_start3A_69 = tpu.memref_slice %arg9[%mul3A_54] : memref<10000xi32, #tpu.memory_space<vmem>> -> memref<80xi32, #tpu.memory_space<vmem>>
        %dma_start3A_70 = arith.constant 0 : i32
        %dma_start3A_71 = arith.constant 0 : i32
        %dma_start3A_72 = tpu.memref_slice %arg7[%dma_start3A_70, %dma_start3A_71] : memref<10240x128xf32, #tpu.memory_space<vmem_shared>> -> memref<10240x128xf32, #tpu.memory_space<vmem_shared>>
        tpu.enqueue_indirect_dma source(%arg10 : memref<80x128xf32, #tpu.memory_space<vmem>>) target(%dma_start3A_72 : memref<10240x128xf32, #tpu.memory_space<vmem_shared>>) offsets(%dma_start3A_69 : memref<80xi32, #tpu.memory_space<vmem>>) semaphore(%run_scoped3A : memref<!tpu.dma_semaphore, #tpu.memory_space<semaphore_mem>>) {add = true}
        %dma_wait3A_73 = tpu.memref_slice %arg9[%mul3A_54] : memref<10000xi32, #tpu.memory_space<vmem>> -> memref<80xi32, #tpu.memory_space<vmem>>
        %dma_wait3A_74 = arith.constant 0 : i32
        %dma_wait3A_75 = arith.constant 0 : i32
        %dma_wait3A_76 = tpu.memref_slice %arg7[%dma_wait3A_74, %dma_wait3A_75] : memref<10240x128xf32, #tpu.memory_space<vmem_shared>> -> memref<10240x128xf32, #tpu.memory_space<vmem_shared>>
        tpu.wait_indirect_dma semaphore(%run_scoped3A : memref<!tpu.dma_semaphore, #tpu.memory_space<semaphore_mem>>) src(%arg10 : memref<80x128xf32, #tpu.memory_space<vmem>>) dst(%dma_wait3A_76 : memref<10240x128xf32, #tpu.memory_space<vmem_shared>>)
        tpu.yield
      }) : () -> ()
      %add3A_55 = arith.constant 2 : i32
      %add3A_56 = arith.addi %mul3A_38, %add3A_55 : i32
      %lt3A = arith.constant 125 : i32
      %lt3A_57 = arith.cmpi slt, %add3A_56, %lt3A : i32
      %convert_element_type3A = arith.extui %lt3A_57 : i1 to i32
      %cond3A = arith.constant 0 : i32
      %cond3A_58 = arith.cmpi ne, %convert_element_type3A, %cond3A : i32
      scf.if %cond3A_58 {
        %add3A_69 = arith.constant 2 : i32
        %add3A_70 = arith.addi %mul3A_38, %add3A_69 : i32
        %mul3A_71 = arith.constant 80 : i32
        %mul3A_72 = arith.muli %add3A_70, %mul3A_71 : i32
        %dma_start3A_73 = tpu.memref_slice %arg8[%mul3A_72] : memref<10000xi32, #tpu.memory_space<vmem>> -> memref<80xi32, #tpu.memory_space<vmem>>
        %dma_start3A_74 = arith.constant 0 : i32
        %dma_start3A_75 = arith.constant 0 : i32
        %dma_start3A_76 = tpu.memref_slice %arg2[%dma_start3A_74, %dma_start3A_75] : memref<10000x128xf32, #tpu.memory_space<hbm>> -> memref<10000x128xf32, #tpu.memory_space<hbm>>
        tpu.enqueue_indirect_dma source(%dma_start3A_76 : memref<10000x128xf32, #tpu.memory_space<hbm>>) target(%arg10 : memref<80x128xf32, #tpu.memory_space<vmem>>) offsets(%dma_start3A_73 : memref<80xi32, #tpu.memory_space<vmem>>) semaphore(%arg12 : memref<!tpu.dma_semaphore, #tpu.memory_space<semaphore_mem>>)
      } else {
      }
      %dma_wait3A_59 = arith.constant 0 : i32
      %dma_wait3A_60 = arith.constant 0 : i32
      %dma_wait3A_61 = tpu.memref_slice %arg2[%dma_wait3A_59, %dma_wait3A_60] : memref<10000x128xf32, #tpu.memory_space<hbm>> -> memref<80x128xf32, #tpu.memory_space<hbm>>
      %dma_wait3A_62 = arith.constant 0 : i32
      %dma_wait3A_63 = arith.constant 0 : i32
      %dma_wait3A_64 = tpu.memref_slice %arg2[%dma_wait3A_62, %dma_wait3A_63] : memref<10000x128xf32, #tpu.memory_space<hbm>> -> memref<80x128xf32, #tpu.memory_space<hbm>>
      tpu.wait_dma2 semaphore(%arg13 : memref<!tpu.dma_semaphore, #tpu.memory_space<semaphore_mem>>) src(%dma_wait3A_64 : memref<80x128xf32, #tpu.memory_space<hbm>>) dst(%arg11 : memref<80x128xf32, #tpu.memory_space<vmem>>)
      %add3A_65 = arith.constant 1 : i32
      %add3A_66 = arith.addi %mul3A_38, %add3A_65 : i32
      %mul3A_67 = arith.constant 80 : i32
      %mul3A_68 = arith.muli %add3A_66, %mul3A_67 : i32
      "tpu.region"() ({
        %run_scoped3A = tpu.sem_alloc : memref<!tpu.dma_semaphore, #tpu.memory_space<semaphore_mem>>
        %dma_start3A_69 = tpu.memref_slice %arg9[%mul3A_68] : memref<10000xi32, #tpu.memory_space<vmem>> -> memref<80xi32, #tpu.memory_space<vmem>>
        %dma_start3A_70 = arith.constant 0 : i32
        %dma_start3A_71 = arith.constant 0 : i32
        %dma_start3A_72 = tpu.memref_slice %arg7[%dma_start3A_70, %dma_start3A_71] : memref<10240x128xf32, #tpu.memory_space<vmem_shared>> -> memref<10240x128xf32, #tpu.memory_space<vmem_shared>>
        tpu.enqueue_indirect_dma source(%arg11 : memref<80x128xf32, #tpu.memory_space<vmem>>) target(%dma_start3A_72 : memref<10240x128xf32, #tpu.memory_space<vmem_shared>>) offsets(%dma_start3A_69 : memref<80xi32, #tpu.memory_space<vmem>>) semaphore(%run_scoped3A : memref<!tpu.dma_semaphore, #tpu.memory_space<semaphore_mem>>) {add = true}
        %dma_wait3A_73 = tpu.memref_slice %arg9[%mul3A_68] : memref<10000xi32, #tpu.memory_space<vmem>> -> memref<80xi32, #tpu.memory_space<vmem>>
        %dma_wait3A_74 = arith.constant 0 : i32
        %dma_wait3A_75 = arith.constant 0 : i32
        %dma_wait3A_76 = tpu.memref_slice %arg7[%dma_wait3A_74, %dma_wait3A_75] : memref<10240x128xf32, #tpu.memory_space<vmem_shared>> -> memref<10240x128xf32, #tpu.memory_space<vmem_shared>>
        tpu.wait_indirect_dma semaphore(%run_scoped3A : memref<!tpu.dma_semaphore, #tpu.memory_space<semaphore_mem>>) src(%arg11 : memref<80x128xf32, #tpu.memory_space<vmem>>) dst(%dma_wait3A_76 : memref<10240x128xf32, #tpu.memory_space<vmem_shared>>)
        tpu.yield
      }) : () -> ()
    }
    %scan3A_18 = arith.constant 62 : i32
    %dma_wait3A = arith.constant 0 : i32
    %dma_wait3A_19 = arith.constant 0 : i32
    %dma_wait3A_20 = tpu.memref_slice %arg2[%dma_wait3A, %dma_wait3A_19] : memref<10000x128xf32, #tpu.memory_space<hbm>> -> memref<80x128xf32, #tpu.memory_space<hbm>>
    %dma_wait3A_21 = arith.constant 0 : i32
    %dma_wait3A_22 = arith.constant 0 : i32
    %dma_wait3A_23 = tpu.memref_slice %arg2[%dma_wait3A_21, %dma_wait3A_22] : memref<10000x128xf32, #tpu.memory_space<hbm>> -> memref<80x128xf32, #tpu.memory_space<hbm>>
    tpu.wait_dma2 semaphore(%arg12 : memref<!tpu.dma_semaphore, #tpu.memory_space<semaphore_mem>>) src(%dma_wait3A_23 : memref<80x128xf32, #tpu.memory_space<hbm>>) dst(%arg10 : memref<80x128xf32, #tpu.memory_space<vmem>>)
    "tpu.region"() ({
      %run_scoped3A = tpu.sem_alloc : memref<!tpu.dma_semaphore, #tpu.memory_space<semaphore_mem>>
      %dma_start3A_32 = arith.constant 9920 : i32
      %dma_start3A_33 = tpu.memref_slice %arg9[%dma_start3A_32] : memref<10000xi32, #tpu.memory_space<vmem>> -> memref<80xi32, #tpu.memory_space<vmem>>
      %dma_start3A_34 = arith.constant 0 : i32
      %dma_start3A_35 = arith.constant 0 : i32
      %dma_start3A_36 = tpu.memref_slice %arg7[%dma_start3A_34, %dma_start3A_35] : memref<10240x128xf32, #tpu.memory_space<vmem_shared>> -> memref<10240x128xf32, #tpu.memory_space<vmem_shared>>
      tpu.enqueue_indirect_dma source(%arg10 : memref<80x128xf32, #tpu.memory_space<vmem>>) target(%dma_start3A_36 : memref<10240x128xf32, #tpu.memory_space<vmem_shared>>) offsets(%dma_start3A_33 : memref<80xi32, #tpu.memory_space<vmem>>) semaphore(%run_scoped3A : memref<!tpu.dma_semaphore, #tpu.memory_space<semaphore_mem>>) {add = true}
      %dma_wait3A_37 = arith.constant 9920 : i32
      %dma_wait3A_38 = tpu.memref_slice %arg9[%dma_wait3A_37] : memref<10000xi32, #tpu.memory_space<vmem>> -> memref<80xi32, #tpu.memory_space<vmem>>
      %dma_wait3A_39 = arith.constant 0 : i32
      %dma_wait3A_40 = arith.constant 0 : i32
      %dma_wait3A_41 = tpu.memref_slice %arg7[%dma_wait3A_39, %dma_wait3A_40] : memref<10240x128xf32, #tpu.memory_space<vmem_shared>> -> memref<10240x128xf32, #tpu.memory_space<vmem_shared>>
      tpu.wait_indirect_dma semaphore(%run_scoped3A : memref<!tpu.dma_semaphore, #tpu.memory_space<semaphore_mem>>) src(%arg10 : memref<80x128xf32, #tpu.memory_space<vmem>>) dst(%dma_wait3A_41 : memref<10240x128xf32, #tpu.memory_space<vmem_shared>>)
      tpu.yield
    }) : () -> ()
    %barrier3A_24 = arith.constant 0 : index
    tpu.barrier barrier_id(%barrier3A_24)
    %mul3A_25 = arith.constant 640 : i32
    %mul3A_26 = arith.muli %arg1, %mul3A_25 : i32
    %mul3A_27 = arith.constant 10240 : i32
    %mul3A_28 = arith.muli %arg0, %mul3A_27 : i32
    %mul3A_29 = arith.constant 640 : i32
    %mul3A_30 = arith.muli %arg1, %mul3A_29 : i32
    %add3A_31 = arith.addi %mul3A_28, %mul3A_30 : i32
    "tpu.region"() ({
      %run_scoped3A = tpu.sem_alloc : memref<!tpu.dma_semaphore, #tpu.memory_space<semaphore_mem>>
      %dma_start3A_32 = arith.constant 0 : i32
      %dma_start3A_33 = tpu.memref_slice %arg6[%add3A_31, %dma_start3A_32] : memref<20480x128xf32, #tpu.memory_space<hbm>> -> memref<640x128xf32, #tpu.memory_space<hbm>>
      %dma_start3A_34 = arith.constant 0 : i32
      %dma_start3A_35 = tpu.memref_slice %arg7[%mul3A_26, %dma_start3A_34] : memref<10240x128xf32, #tpu.memory_space<vmem_shared>> -> memref<640x128xf32, #tpu.memory_space<vmem_shared>>
      tpu.enqueue_dma source(%dma_start3A_35 : memref<640x128xf32, #tpu.memory_space<vmem_shared>>) target(%dma_start3A_33 : memref<640x128xf32, #tpu.memory_space<hbm>>) target_semaphore(%run_scoped3A : memref<!tpu.dma_semaphore, #tpu.memory_space<semaphore_mem>>)
      %dma_wait3A_36 = arith.constant 0 : i32
      %dma_wait3A_37 = tpu.memref_slice %arg6[%add3A_31, %dma_wait3A_36] : memref<20480x128xf32, #tpu.memory_space<hbm>> -> memref<640x128xf32, #tpu.memory_space<hbm>>
      %dma_wait3A_38 = arith.constant 0 : i32
      %dma_wait3A_39 = tpu.memref_slice %arg7[%mul3A_26, %dma_wait3A_38] : memref<10240x128xf32, #tpu.memory_space<vmem_shared>> -> memref<640x128xf32, #tpu.memory_space<vmem_shared>>
      tpu.wait_dma2 semaphore(%run_scoped3A : memref<!tpu.dma_semaphore, #tpu.memory_space<semaphore_mem>>) src(%dma_wait3A_39 : memref<640x128xf32, #tpu.memory_space<vmem_shared>>) dst(%dma_wait3A_37 : memref<640x128xf32, #tpu.memory_space<hbm>>)
      tpu.yield
    }) : () -> ()
    return
  }
}

module attributes {stable_mosaic.version = 14 : i64} {
  func.func @_prep_body(%arg0: i32, %arg1: memref<32x1024xf32, #tpu.memory_space<vmem>>, %arg2: memref<1024x128xf32, #tpu.memory_space<vmem>>, %arg3: memref<1024x128xf32, #tpu.memory_space<vmem>>, %arg4: memref<128x128xf32, #tpu.memory_space<vmem>>, %arg5: memref<128x128xf32, #tpu.memory_space<vmem>>, %arg6: memref<1024x1xf32, #tpu.memory_space<vmem>>, %arg7: memref<1024x128xf32, #tpu.memory_space<vmem>>, %arg8: memref<1024x128xf32, #tpu.memory_space<vmem>>) attributes {dimension_semantics = [#tpu.dimension_semantics<arbitrary>], iteration_bounds = array<i64: 10>, scalar_prefetch = 0 : i64, scratch_operands = 0 : i64, tpu.core_type = #tpu.core_type<tc>, window_params = [{transform_indices = @transform_0, window_bounds = array<i64: 32, 1024>}, {transform_indices = @transform_1, window_bounds = array<i64: 1024, 128>}, {transform_indices = @transform_2, window_bounds = array<i64: 1024, 128>}, {pipeline_mode = #tpu.pipeline_mode<synchronous>, transform_indices = @transform_3, window_bounds = array<i64: 128, 128>}, {pipeline_mode = #tpu.pipeline_mode<synchronous>, transform_indices = @transform_4, window_bounds = array<i64: 128, 128>}, {transform_indices = @transform_5, window_bounds = array<i64: 1024, 1>}, {transform_indices = @transform_6, window_bounds = array<i64: 1024, 128>}, {transform_indices = @transform_7, window_bounds = array<i64: 1024, 128>}]} {
    %get3A = arith.constant 0 : index
    %get3A_0 = arith.constant 0 : index
    %get3A_1 = vector.load %arg1[%get3A, %get3A_0] : memref<32x1024xf32, #tpu.memory_space<vmem>>, vector<32x1024xf32>
    %reduce_sum3A = arith.constant dense<0.000000e+00> : vector<1024xf32>
    %reduce_sum3A_2 = vector.multi_reduction <add>, %get3A_1, %reduce_sum3A [0] : vector<32x1024xf32> to vector<1024xf32>
    %add3A = arith.constant 1.000000e+00 : f32
    %add3A_3 = vector.broadcast %add3A : f32 to vector<1024xf32>
    %add3A_4 = arith.addf %reduce_sum3A_2, %add3A_3 : vector<1024xf32>
    %rsqrt3A = math.rsqrt %add3A_4 : vector<1024xf32>
    %broadcast_in_dim3A = vector.shape_cast %rsqrt3A : vector<1024xf32> to vector<1024x1xf32>
    %swap3A = arith.constant 0 : index
    %swap3A_5 = arith.constant 0 : index
    %swap3A_6 = vector.load %arg6[%swap3A, %swap3A_5] : memref<1024x1xf32, #tpu.memory_space<vmem>>, vector<1024x1xf32>
    tpu.vector_store %arg6[%swap3A, %swap3A_5], %broadcast_in_dim3A {strides = array<i32>} : memref<1024x1xf32, #tpu.memory_space<vmem>>, vector<1024x1xf32>,
    %get3A_7 = arith.constant 0 : index
    %get3A_8 = arith.constant 0 : index
    %get3A_9 = vector.load %arg2[%get3A_7, %get3A_8] : memref<1024x128xf32, #tpu.memory_space<vmem>>, vector<1024x128xf32>
    %get3A_10 = arith.constant 0 : index
    %get3A_11 = arith.constant 0 : index
    %get3A_12 = vector.load %arg4[%get3A_10, %get3A_11] : memref<128x128xf32, #tpu.memory_space<vmem>>, vector<128x128xf32>
    %dot_general3A = arith.constant dense<0.000000e+00> : vector<1024x128xf32>
    %dot_general3A_13 = tpu.matmul %get3A_9, %get3A_12, %dot_general3A {dimension_numbers = #tpu.dot_dimension_numbers<[1], [0], [0], [1], [0, 0, 1, 1], [], []>, precision = #tpu.contract_precision<fp32>, transpose_lhs_hint = false} : vector<1024x128xf32>, vector<128x128xf32>, vector<1024x128xf32> -> vector<1024x128xf32>
    %mul3A = vector.broadcast %broadcast_in_dim3A : vector<1024x1xf32> to vector<1024x128xf32>
    %mul3A_14 = arith.mulf %mul3A, %dot_general3A_13 : vector<1024x128xf32>
    %swap3A_15 = arith.constant 0 : index
    %swap3A_16 = arith.constant 0 : index
    %swap3A_17 = vector.load %arg7[%swap3A_15, %swap3A_16] : memref<1024x128xf32, #tpu.memory_space<vmem>>, vector<1024x128xf32>
    tpu.vector_store %arg7[%swap3A_15, %swap3A_16], %mul3A_14 {strides = array<i32>} : memref<1024x128xf32, #tpu.memory_space<vmem>>, vector<1024x128xf32>,
    %get3A_18 = arith.constant 0 : index
    %get3A_19 = arith.constant 0 : index
    %get3A_20 = vector.load %arg3[%get3A_18, %get3A_19] : memref<1024x128xf32, #tpu.memory_space<vmem>>, vector<1024x128xf32>
    %get3A_21 = arith.constant 0 : index
    %get3A_22 = arith.constant 0 : index
    %get3A_23 = vector.load %arg5[%get3A_21, %get3A_22] : memref<128x128xf32, #tpu.memory_space<vmem>>, vector<128x128xf32>
    %dot_general3A_24 = arith.constant dense<0.000000e+00> : vector<1024x128xf32>
    %dot_general3A_25 = tpu.matmul %get3A_20, %get3A_23, %dot_general3A_24 {dimension_numbers = #tpu.dot_dimension_numbers<[1], [0], [0], [1], [0, 0, 1, 1], [], []>, precision = #tpu.contract_precision<fp32>, transpose_lhs_hint = false} : vector<1024x128xf32>, vector<128x128xf32>, vector<1024x128xf32> -> vector<1024x128xf32>
    %mul3A_26 = vector.broadcast %broadcast_in_dim3A : vector<1024x1xf32> to vector<1024x128xf32>
    %mul3A_27 = arith.mulf %mul3A_26, %dot_general3A_25 : vector<1024x128xf32>
    %swap3A_28 = arith.constant 0 : index
    %swap3A_29 = arith.constant 0 : index
    %swap3A_30 = vector.load %arg8[%swap3A_28, %swap3A_29] : memref<1024x128xf32, #tpu.memory_space<vmem>>, vector<1024x128xf32>
    tpu.vector_store %arg8[%swap3A_28, %swap3A_29], %mul3A_27 {strides = array<i32>} : memref<1024x128xf32, #tpu.memory_space<vmem>>, vector<1024x128xf32>,
    return
  }
  func.func @transform_0(%arg0: i32) -> (i32, i32) {
    %c0_i32 = arith.constant 0 : i32
    %c0_i32_0 = arith.constant 0 : i32
    return %c0_i32, %arg0 : i32, i32
  }
  func.func @transform_1(%arg0: i32) -> (i32, i32) {
    %c0_i32 = arith.constant 0 : i32
    %c0_i32_0 = arith.constant 0 : i32
    return %arg0, %c0_i32 : i32, i32
  }
  func.func @transform_2(%arg0: i32) -> (i32, i32) {
    %c0_i32 = arith.constant 0 : i32
    %c0_i32_0 = arith.constant 0 : i32
    return %arg0, %c0_i32 : i32, i32
  }
  func.func @transform_3(%arg0: i32) -> (i32, i32) {
    %c0_i32 = arith.constant 0 : i32
    %c0_i32_0 = arith.constant 0 : i32
    %c0_i32_1 = arith.constant 0 : i32
    return %c0_i32, %c0_i32_0 : i32, i32
  }
  func.func @transform_4(%arg0: i32) -> (i32, i32) {
    %c0_i32 = arith.constant 0 : i32
    %c0_i32_0 = arith.constant 0 : i32
    %c0_i32_1 = arith.constant 0 : i32
    return %c0_i32, %c0_i32_0 : i32, i32
  }
  func.func @transform_5(%arg0: i32) -> (i32, i32) {
    %c0_i32 = arith.constant 0 : i32
    %c0_i32_0 = arith.constant 0 : i32
    return %arg0, %c0_i32 : i32, i32
  }
  func.func @transform_6(%arg0: i32) -> (i32, i32) {
    %c0_i32 = arith.constant 0 : i32
    %c0_i32_0 = arith.constant 0 : i32
    return %arg0, %c0_i32 : i32, i32
  }
  func.func @transform_7(%arg0: i32) -> (i32, i32) {
    %c0_i32 = arith.constant 0 : i32
    %c0_i32_0 = arith.constant 0 : i32
    return %arg0, %c0_i32 : i32, i32
  }
}

module attributes {stable_mosaic.version = 14 : i64} {
  func.func @_mid_body(%arg0: i32, %arg1: memref<1024x128xf32, #tpu.memory_space<vmem>>, %arg2: memref<1024x128xf32, #tpu.memory_space<vmem>>, %arg3: memref<1024x128xf32, #tpu.memory_space<vmem>>, %arg4: memref<1024x128xf32, #tpu.memory_space<vmem>>, %arg5: memref<1024x1xf32, #tpu.memory_space<vmem>>, %arg6: memref<1x128xf32, #tpu.memory_space<vmem>>, %arg7: memref<1x128xf32, #tpu.memory_space<vmem>>, %arg8: memref<256x128xf32, #tpu.memory_space<vmem>>, %arg9: memref<1024x128xf32, #tpu.memory_space<vmem>>) attributes {dimension_semantics = [#tpu.dimension_semantics<arbitrary>], iteration_bounds = array<i64: 10>, scalar_prefetch = 0 : i64, scratch_operands = 0 : i64, tpu.core_type = #tpu.core_type<tc>, window_params = [{transform_indices = @transform_0, window_bounds = array<i64: 1024, 128>}, {transform_indices = @transform_1, window_bounds = array<i64: 1024, 128>}, {transform_indices = @transform_2, window_bounds = array<i64: 1024, 128>}, {transform_indices = @transform_3, window_bounds = array<i64: 1024, 128>}, {transform_indices = @transform_4, window_bounds = array<i64: 1024, 1>}, {pipeline_mode = #tpu.pipeline_mode<synchronous>, transform_indices = @transform_5, window_bounds = array<i64: 1, 128>}, {pipeline_mode = #tpu.pipeline_mode<synchronous>, transform_indices = @transform_6, window_bounds = array<i64: 1, 128>}, {pipeline_mode = #tpu.pipeline_mode<synchronous>, transform_indices = @transform_7, window_bounds = array<i64: 256, 128>}, {transform_indices = @transform_8, window_bounds = array<i64: 1024, 128>}]} {
    %get3A = arith.constant 0 : index
    %get3A_0 = arith.constant 0 : index
    %get3A_1 = vector.load %arg5[%get3A, %get3A_0] : memref<1024x1xf32, #tpu.memory_space<vmem>>, vector<1024x1xf32>
    %get3A_2 = arith.constant 0 : index
    %get3A_3 = arith.constant 0 : index
    %get3A_4 = vector.load %arg1[%get3A_2, %get3A_3] : memref<1024x128xf32, #tpu.memory_space<vmem>>, vector<1024x128xf32>
    %get3A_5 = arith.constant 0 : index
    %get3A_6 = arith.constant 0 : index
    %get3A_7 = vector.load %arg3[%get3A_5, %get3A_6] : memref<1024x128xf32, #tpu.memory_space<vmem>>, vector<1024x128xf32>
    %add3A = arith.addf %get3A_4, %get3A_7 : vector<1024x128xf32>
    %mul3A = vector.broadcast %get3A_1 : vector<1024x1xf32> to vector<1024x128xf32>
    %mul3A_8 = arith.mulf %mul3A, %add3A : vector<1024x128xf32>
    %get3A_9 = arith.constant 0 : index
    %get3A_10 = arith.constant 0 : index
    %get3A_11 = vector.load %arg6[%get3A_9, %get3A_10] : memref<1x128xf32, #tpu.memory_space<vmem>>, vector<1x128xf32>
    %add3A_12 = vector.broadcast %get3A_11 : vector<1x128xf32> to vector<1024x128xf32>
    %add3A_13 = arith.addf %mul3A_8, %add3A_12 : vector<1024x128xf32>
    %tanh3A = math.tanh %add3A_13 : vector<1024x128xf32>
    %get3A_14 = arith.constant 0 : index
    %get3A_15 = arith.constant 0 : index
    %get3A_16 = vector.load %arg2[%get3A_14, %get3A_15] : memref<1024x128xf32, #tpu.memory_space<vmem>>, vector<1024x128xf32>
    %get3A_17 = arith.constant 0 : index
    %get3A_18 = arith.constant 0 : index
    %get3A_19 = vector.load %arg4[%get3A_17, %get3A_18] : memref<1024x128xf32, #tpu.memory_space<vmem>>, vector<1024x128xf32>
    %add3A_20 = arith.addf %get3A_16, %get3A_19 : vector<1024x128xf32>
    %mul3A_21 = vector.broadcast %get3A_1 : vector<1024x1xf32> to vector<1024x128xf32>
    %mul3A_22 = arith.mulf %mul3A_21, %add3A_20 : vector<1024x128xf32>
    %get3A_23 = arith.constant 0 : index
    %get3A_24 = arith.constant 0 : index
    %get3A_25 = vector.load %arg7[%get3A_23, %get3A_24] : memref<1x128xf32, #tpu.memory_space<vmem>>, vector<1x128xf32>
    %add3A_26 = vector.broadcast %get3A_25 : vector<1x128xf32> to vector<1024x128xf32>
    %add3A_27 = arith.addf %mul3A_22, %add3A_26 : vector<1024x128xf32>
    %tanh3A_28 = math.tanh %add3A_27 : vector<1024x128xf32>
    %get3A_29 = arith.constant 0 : index
    %get3A_30 = arith.constant 0 : index
    %get3A_31 = vector.load %arg8[%get3A_29, %get3A_30] : memref<256x128xf32, #tpu.memory_space<vmem>>, vector<128x128xf32>
    %dot_general3A = arith.constant dense<0.000000e+00> : vector<1024x128xf32>
    %dot_general3A_32 = tpu.matmul %tanh3A, %get3A_31, %dot_general3A {dimension_numbers = #tpu.dot_dimension_numbers<[1], [0], [0], [1], [0, 0, 1, 1], [], []>, precision = #tpu.contract_precision<fp32>, transpose_lhs_hint = false} : vector<1024x128xf32>, vector<128x128xf32>, vector<1024x128xf32> -> vector<1024x128xf32>
    %get3A_33 = arith.constant 128 : index
    %get3A_34 = arith.constant 0 : index
    %get3A_35 = vector.load %arg8[%get3A_33, %get3A_34] : memref<256x128xf32, #tpu.memory_space<vmem>>, vector<128x128xf32>
    %dot_general3A_36 = arith.constant dense<0.000000e+00> : vector<1024x128xf32>
    %dot_general3A_37 = tpu.matmul %tanh3A_28, %get3A_35, %dot_general3A_36 {dimension_numbers = #tpu.dot_dimension_numbers<[1], [0], [0], [1], [0, 0, 1, 1], [], []>, precision = #tpu.contract_precision<fp32>, transpose_lhs_hint = false} : vector<1024x128xf32>, vector<128x128xf32>, vector<1024x128xf32> -> vector<1024x128xf32>
    %add3A_38 = arith.addf %dot_general3A_32, %dot_general3A_37 : vector<1024x128xf32>
    %mul3A_39 = vector.broadcast %get3A_1 : vector<1024x1xf32> to vector<1024x128xf32>
    %mul3A_40 = arith.mulf %mul3A_39, %add3A_38 : vector<1024x128xf32>
    %swap3A = arith.constant 0 : index
    %swap3A_41 = arith.constant 0 : index
    %swap3A_42 = vector.load %arg9[%swap3A, %swap3A_41] : memref<1024x128xf32, #tpu.memory_space<vmem>>, vector<1024x128xf32>
    tpu.vector_store %arg9[%swap3A, %swap3A_41], %mul3A_40 {strides = array<i32>} : memref<1024x128xf32, #tpu.memory_space<vmem>>, vector<1024x128xf32>,
    return
  }
  func.func @transform_0(%arg0: i32) -> (i32, i32) {
    %c0_i32 = arith.constant 0 : i32
    %c0_i32_0 = arith.constant 0 : i32
    return %arg0, %c0_i32 : i32, i32
  }
  func.func @transform_1(%arg0: i32) -> (i32, i32) {
    %add3A = arith.constant 10 : i32
    %add3A_0 = arith.addi %add3A, %arg0 : i32
    %c0_i32 = arith.constant 0 : i32
    %c0_i32_1 = arith.constant 0 : i32
    return %add3A_0, %c0_i32 : i32, i32
  }
  func.func @transform_2(%arg0: i32) -> (i32, i32) {
    %c0_i32 = arith.constant 0 : i32
    %c0_i32_0 = arith.constant 0 : i32
    return %arg0, %c0_i32 : i32, i32
  }
  func.func @transform_3(%arg0: i32) -> (i32, i32) {
    %c0_i32 = arith.constant 0 : i32
    %c0_i32_0 = arith.constant 0 : i32
    return %arg0, %c0_i32 : i32, i32
  }
  func.func @transform_4(%arg0: i32) -> (i32, i32) {
    %c0_i32 = arith.constant 0 : i32
    %c0_i32_0 = arith.constant 0 : i32
    return %arg0, %c0_i32 : i32, i32
  }
  func.func @transform_5(%arg0: i32) -> (i32, i32) {
    %c0_i32 = arith.constant 0 : i32
    %c0_i32_0 = arith.constant 0 : i32
    %c0_i32_1 = arith.constant 0 : i32
    return %c0_i32, %c0_i32_0 : i32, i32
  }
  func.func @transform_6(%arg0: i32) -> (i32, i32) {
    %c0_i32 = arith.constant 0 : i32
    %c0_i32_0 = arith.constant 0 : i32
    %c0_i32_1 = arith.constant 0 : i32
    return %c0_i32, %c0_i32_0 : i32, i32
  }
  func.func @transform_7(%arg0: i32) -> (i32, i32) {
    %c0_i32 = arith.constant 0 : i32
    %c0_i32_0 = arith.constant 0 : i32
    %c0_i32_1 = arith.constant 0 : i32
    return %c0_i32, %c0_i32_0 : i32, i32
  }
  func.func @transform_8(%arg0: i32) -> (i32, i32) {
    %c0_i32 = arith.constant 0 : i32
    %c0_i32_0 = arith.constant 0 : i32
    return %arg0, %c0_i32 : i32, i32
  }
}

module attributes {stable_mosaic.version = 14 : i64} {
  func.func @_outprep_body(%arg0: i32, %arg1: memref<1024x128xf32, #tpu.memory_space<vmem>>, %arg2: memref<1024x128xf32, #tpu.memory_space<vmem>>, %arg3: memref<1024x128xf32, #tpu.memory_space<vmem>>, %arg4: memref<1024x1xf32, #tpu.memory_space<vmem>>, %arg5: memref<1x128xf32, #tpu.memory_space<vmem>>, %arg6: memref<128x128xf32, #tpu.memory_space<vmem>>, %arg7: memref<1024x128xf32, #tpu.memory_space<vmem>>) attributes {dimension_semantics = [#tpu.dimension_semantics<arbitrary>], iteration_bounds = array<i64: 10>, scalar_prefetch = 0 : i64, scratch_operands = 0 : i64, tpu.core_type = #tpu.core_type<tc>, window_params = [{transform_indices = @transform_0, window_bounds = array<i64: 1024, 128>}, {transform_indices = @transform_1, window_bounds = array<i64: 1024, 128>}, {transform_indices = @transform_2, window_bounds = array<i64: 1024, 128>}, {transform_indices = @transform_3, window_bounds = array<i64: 1024, 1>}, {pipeline_mode = #tpu.pipeline_mode<synchronous>, transform_indices = @transform_4, window_bounds = array<i64: 1, 128>}, {pipeline_mode = #tpu.pipeline_mode<synchronous>, transform_indices = @transform_5, window_bounds = array<i64: 128, 128>}, {transform_indices = @transform_6, window_bounds = array<i64: 1024, 128>}]} {
    %get3A = arith.constant 0 : index
    %get3A_0 = arith.constant 0 : index
    %get3A_1 = vector.load %arg4[%get3A, %get3A_0] : memref<1024x1xf32, #tpu.memory_space<vmem>>, vector<1024x1xf32>
    %get3A_2 = arith.constant 0 : index
    %get3A_3 = arith.constant 0 : index
    %get3A_4 = vector.load %arg1[%get3A_2, %get3A_3] : memref<1024x128xf32, #tpu.memory_space<vmem>>, vector<1024x128xf32>
    %get3A_5 = arith.constant 0 : index
    %get3A_6 = arith.constant 0 : index
    %get3A_7 = vector.load %arg2[%get3A_5, %get3A_6] : memref<1024x128xf32, #tpu.memory_space<vmem>>, vector<1024x128xf32>
    %add3A = arith.addf %get3A_4, %get3A_7 : vector<1024x128xf32>
    %get3A_8 = arith.constant 0 : index
    %get3A_9 = arith.constant 0 : index
    %get3A_10 = vector.load %arg3[%get3A_8, %get3A_9] : memref<1024x128xf32, #tpu.memory_space<vmem>>, vector<1024x128xf32>
    %add3A_11 = arith.addf %add3A, %get3A_10 : vector<1024x128xf32>
    %mul3A = vector.broadcast %get3A_1 : vector<1024x1xf32> to vector<1024x128xf32>
    %mul3A_12 = arith.mulf %mul3A, %add3A_11 : vector<1024x128xf32>
    %get3A_13 = arith.constant 0 : index
    %get3A_14 = arith.constant 0 : index
    %get3A_15 = vector.load %arg5[%get3A_13, %get3A_14] : memref<1x128xf32, #tpu.memory_space<vmem>>, vector<1x128xf32>
    %add3A_16 = vector.broadcast %get3A_15 : vector<1x128xf32> to vector<1024x128xf32>
    %add3A_17 = arith.addf %mul3A_12, %add3A_16 : vector<1024x128xf32>
    %tanh3A = math.tanh %add3A_17 : vector<1024x128xf32>
    %get3A_18 = arith.constant 0 : index
    %get3A_19 = arith.constant 0 : index
    %get3A_20 = vector.load %arg6[%get3A_18, %get3A_19] : memref<128x128xf32, #tpu.memory_space<vmem>>, vector<128x128xf32>
    %dot_general3A = arith.constant dense<0.000000e+00> : vector<1024x128xf32>
    %dot_general3A_21 = tpu.matmul %tanh3A, %get3A_20, %dot_general3A {dimension_numbers = #tpu.dot_dimension_numbers<[1], [0], [0], [1], [0, 0, 1, 1], [], []>, precision = #tpu.contract_precision<fp32>, transpose_lhs_hint = false} : vector<1024x128xf32>, vector<128x128xf32>, vector<1024x128xf32> -> vector<1024x128xf32>
    %mul3A_22 = vector.broadcast %get3A_1 : vector<1024x1xf32> to vector<1024x128xf32>
    %mul3A_23 = arith.mulf %mul3A_22, %dot_general3A_21 : vector<1024x128xf32>
    %swap3A = arith.constant 0 : index
    %swap3A_24 = arith.constant 0 : index
    %swap3A_25 = vector.load %arg7[%swap3A, %swap3A_24] : memref<1024x128xf32, #tpu.memory_space<vmem>>, vector<1024x128xf32>
    tpu.vector_store %arg7[%swap3A, %swap3A_24], %mul3A_23 {strides = array<i32>} : memref<1024x128xf32, #tpu.memory_space<vmem>>, vector<1024x128xf32>,
    return
  }
  func.func @transform_0(%arg0: i32) -> (i32, i32) {
    %c0_i32 = arith.constant 0 : i32
    %c0_i32_0 = arith.constant 0 : i32
    return %arg0, %c0_i32 : i32, i32
  }
  func.func @transform_1(%arg0: i32) -> (i32, i32) {
    %add3A = arith.constant 10 : i32
    %add3A_0 = arith.addi %add3A, %arg0 : i32
    %c0_i32 = arith.constant 0 : i32
    %c0_i32_1 = arith.constant 0 : i32
    return %add3A_0, %c0_i32 : i32, i32
  }
  func.func @transform_2(%arg0: i32) -> (i32, i32) {
    %c0_i32 = arith.constant 0 : i32
    %c0_i32_0 = arith.constant 0 : i32
    return %arg0, %c0_i32 : i32, i32
  }
  func.func @transform_3(%arg0: i32) -> (i32, i32) {
    %c0_i32 = arith.constant 0 : i32
    %c0_i32_0 = arith.constant 0 : i32
    return %arg0, %c0_i32 : i32, i32
  }
  func.func @transform_4(%arg0: i32) -> (i32, i32) {
    %c0_i32 = arith.constant 0 : i32
    %c0_i32_0 = arith.constant 0 : i32
    %c0_i32_1 = arith.constant 0 : i32
    return %c0_i32, %c0_i32_0 : i32, i32
  }
  func.func @transform_5(%arg0: i32) -> (i32, i32) {
    %c0_i32 = arith.constant 0 : i32
    %c0_i32_0 = arith.constant 0 : i32
    %c0_i32_1 = arith.constant 0 : i32
    return %c0_i32, %c0_i32_0 : i32, i32
  }
  func.func @transform_6(%arg0: i32) -> (i32, i32) {
    %c0_i32 = arith.constant 0 : i32
    %c0_i32_0 = arith.constant 0 : i32
    return %arg0, %c0_i32 : i32, i32
  }
}

module attributes {stable_mosaic.version = 14 : i64} {
  func.func @_final_body(%arg0: i32, %arg1: memref<1024x128xf32, #tpu.memory_space<vmem>>, %arg2: memref<1024x128xf32, #tpu.memory_space<vmem>>, %arg3: memref<1024x128xf32, #tpu.memory_space<vmem>>, %arg4: memref<1024x1xf32, #tpu.memory_space<vmem>>, %arg5: memref<1x128xf32, #tpu.memory_space<vmem>>, %arg6: memref<1024x128xf32, #tpu.memory_space<vmem>>) attributes {dimension_semantics = [#tpu.dimension_semantics<arbitrary>], iteration_bounds = array<i64: 10>, scalar_prefetch = 0 : i64, scratch_operands = 0 : i64, tpu.core_type = #tpu.core_type<tc>, window_params = [{transform_indices = @transform_0, window_bounds = array<i64: 1024, 128>}, {transform_indices = @transform_1, window_bounds = array<i64: 1024, 128>}, {transform_indices = @transform_2, window_bounds = array<i64: 1024, 128>}, {transform_indices = @transform_3, window_bounds = array<i64: 1024, 1>}, {pipeline_mode = #tpu.pipeline_mode<synchronous>, transform_indices = @transform_4, window_bounds = array<i64: 1, 128>}, {transform_indices = @transform_5, window_bounds = array<i64: 1024, 128>}]} {
    %get3A = arith.constant 0 : index
    %get3A_0 = arith.constant 0 : index
    %get3A_1 = vector.load %arg4[%get3A, %get3A_0] : memref<1024x1xf32, #tpu.memory_space<vmem>>, vector<1024x1xf32>
    %get3A_2 = arith.constant 0 : index
    %get3A_3 = arith.constant 0 : index
    %get3A_4 = vector.load %arg1[%get3A_2, %get3A_3] : memref<1024x128xf32, #tpu.memory_space<vmem>>, vector<1024x128xf32>
    %get3A_5 = arith.constant 0 : index
    %get3A_6 = arith.constant 0 : index
    %get3A_7 = vector.load %arg2[%get3A_5, %get3A_6] : memref<1024x128xf32, #tpu.memory_space<vmem>>, vector<1024x128xf32>
    %add3A = arith.addf %get3A_4, %get3A_7 : vector<1024x128xf32>
    %get3A_8 = arith.constant 0 : index
    %get3A_9 = arith.constant 0 : index
    %get3A_10 = vector.load %arg3[%get3A_8, %get3A_9] : memref<1024x128xf32, #tpu.memory_space<vmem>>, vector<1024x128xf32>
    %add3A_11 = arith.addf %add3A, %get3A_10 : vector<1024x128xf32>
    %mul3A = vector.broadcast %get3A_1 : vector<1024x1xf32> to vector<1024x128xf32>
    %mul3A_12 = arith.mulf %mul3A, %add3A_11 : vector<1024x128xf32>
    %get3A_13 = arith.constant 0 : index
    %get3A_14 = arith.constant 0 : index
    %get3A_15 = vector.load %arg5[%get3A_13, %get3A_14] : memref<1x128xf32, #tpu.memory_space<vmem>>, vector<1x128xf32>
    %add3A_16 = vector.broadcast %get3A_15 : vector<1x128xf32> to vector<1024x128xf32>
    %add3A_17 = arith.addf %mul3A_12, %add3A_16 : vector<1024x128xf32>
    %swap3A = arith.constant 0 : index
    %swap3A_18 = arith.constant 0 : index
    %swap3A_19 = vector.load %arg6[%swap3A, %swap3A_18] : memref<1024x128xf32, #tpu.memory_space<vmem>>, vector<1024x128xf32>
    tpu.vector_store %arg6[%swap3A, %swap3A_18], %add3A_17 {strides = array<i32>} : memref<1024x128xf32, #tpu.memory_space<vmem>>, vector<1024x128xf32>,
    return
  }
  func.func @transform_0(%arg0: i32) -> (i32, i32) {
    %c0_i32 = arith.constant 0 : i32
    %c0_i32_0 = arith.constant 0 : i32
    return %arg0, %c0_i32 : i32, i32
  }
  func.func @transform_1(%arg0: i32) -> (i32, i32) {
    %add3A = arith.constant 10 : i32
    %add3A_0 = arith.addi %add3A, %arg0 : i32
    %c0_i32 = arith.constant 0 : i32
    %c0_i32_1 = arith.constant 0 : i32
    return %add3A_0, %c0_i32 : i32, i32
  }
  func.func @transform_2(%arg0: i32) -> (i32, i32) {
    %c0_i32 = arith.constant 0 : i32
    %c0_i32_0 = arith.constant 0 : i32
    return %arg0, %c0_i32 : i32, i32
  }
  func.func @transform_3(%arg0: i32) -> (i32, i32) {
    %c0_i32 = arith.constant 0 : i32
    %c0_i32_0 = arith.constant 0 : i32
    return %arg0, %c0_i32 : i32, i32
  }
  func.func @transform_4(%arg0: i32) -> (i32, i32) {
    %c0_i32 = arith.constant 0 : i32
    %c0_i32_0 = arith.constant 0 : i32
    %c0_i32_1 = arith.constant 0 : i32
    return %c0_i32, %c0_i32_0 : i32, i32
  }
  func.func @transform_5(%arg0: i32) -> (i32, i32) {
    %c0_i32 = arith.constant 0 : i32
    %c0_i32_0 = arith.constant 0 : i32
    return %arg0, %c0_i32 : i32, i32
  }
}

</mosaic_0001>

<sc_bundles>
// kernel: kernel.10.cloned.1.call-start
scs
__scs_entry_jumppad:
0x0: {  	(pc) =	sbr.rel $0x88, $3  }
0x1: {  	(tag) =	ssettag $0x0;
	lr =	simm.s32 $0x1  }
0x2: {  	[smem:$0x3F96] =	sst lr;
	_ =	strace $0xD0000000  }
0x3: {  	_ = 	snop  }
0x4: {  	_ = 	snop  }
0x5: {  	_ = 	snop  }
0x6: {  	_ = 	snop  }
0x7: {  	_ = 	snop  }
__scs_overlays_trampoline_lowered:
0x8: {  	[smem:$0x3FA5] =	sst s0  }
0x9: {  	[smem:$0x3FA6] =	sst s1  }
0xa: {  	[smem:$0x3FA7] =	sst s2  }
0xb: {  	[smem:$0x3FA8] =	sst s3  }
0xc: {  	[smem:$0x3FA9] =	sst s4  }
0xd: {  	[smem:$0x3FAA] =	sst s5  }
0xe: {  	[smem:$0x3FAB] =	sst s6  }
0xf: {  	[smem:$0x3FAC] =	sst s7  }
0x10: {  	[smem:$0x3FAD] =	sst s8  }
0x11: {  	[smem:$0x3FAE] =	sst s9;
	s0 =	simm.s32 @!p0 $0x0  }
0x12: {  	s1 =	sld [smem:$0x3F94];
	s0 =	simm.s32 @p0 $0x1  }
0x13: {  	[smem:$0x3FAF] =	sst s0;
	s0 =	simm.s32 @!p1 $0x0  }
0x14: {  	s2 =	sld [smem:$0x3F93];
	s0 =	simm.s32 @p1 $0x1  }
0x15: {  	[smem:$0x3FB0] =	sst s0;
	s0 =	simm.s32 @!p2 $0x0  }
0x16: {  	s3 =	sld [smem:$0x3FDB];
	s0 =	simm.s32 @p2 $0x1  }
0x17: {  	s4 =	simm.s32 $0x1BF5;
	[smem:$0x3FB2] =	sst s0  }
0x18: {  	s0 =	sld [smem:$0x3F95];
	_ =	swait.ge [sflag:s4], $0x0  }
0x19: {  	s7 =	sld [smem:$0x3F96]  }
0x1a: {  	s8 =	sadd.s32 $0xFFFFE003, lr  }
0x1b: {  	s9 =	sadd.s32 $0xFFFFFEF7, lr;
	s5 =	simm.s32 $0xFFFFFFFF;
	p2 =	slt.u32 s8, $0xFFFFF086  }
0x1c: {  	p1 =	slt.u32 s9, $0xF7A;
	s5 =	simm.s32 @!p2 $0x0  }
0x1d: {  	s5 =	simm.s32 @p1 $0x1;
	p0 =	seq.s32 s7, s2  }
0x1e: {  	s7 =	smul.u32 @!p0 $0xF7A, s2;
	p2 =	seq.s32 @!p0 s5, $0x0  }
0x1f: {  	s9 =	smul.u32 $0xF7A, s1;
	s8 =	simm.s32 @!p0 $0x1BF5;
	p2 =	por !p2, p0  }
0x20: {  	[sflag:s8] =	ssyncset.s32 @!p0 $0xFFFFF086;
	s6 =	sadd.s32 @!p0 s3, s7;
	s7 =	simm.s32 @!p0 $0x108  }
0x21: {  	s3 =	sadd.s32 s3, s9;
	s6 =	sadd.s32 @!p0 $0x88, s6;
	s7 =	simm.s32 @p2 $0x1082  }
0x22: {  	[simem:s7], [sflag:s8] =	dma.local @!p0 [hbm:s6], $0xF7A  }
0x23: {  	s9 =	sor.u32 $0xD0000000, s2;
	s6 =	simm.s32 $0x108;
	_ =	swait.ge @!p0 [sflag:s8], $0x0  }
0x24: {  	s3 =	sadd.s32 $0x88, s3;
	s6 =	simm.s32 @!p1 $0x1082;
	[sflag:s4] =	ssyncset.s32 $0xFFFFF086  }
0x25: {  	[simem:s6], [sflag:s4] =	dma.local [hbm:s3], $0xF7A  }
0x26: {  	[smem:$0x3F96] =	sst s1;
	(tag) =	ssettag s2;
	_ =	strace s9  }
0x27: {  	s1 =	sld [smem:$0x3FA6]  }
0x28: {  	s2 =	sld [smem:$0x3FA7]  }
0x29: {  	s4 =	sld [smem:$0x3FA9]  }
0x2a: {  	p0 =	seq.s32 s5, $0x0;
	s5 =	sld [smem:$0x3FAA]  }
0x2b: {  	s6 =	sld [smem:$0x3FAB]  }
0x2c: {  	s7 =	sld [smem:$0x3FAC]  }
0x2d: {  	s3 =	simm.s32 $0x108;
	s8 =	sld [smem:$0x3FAD]  }
0x2e: {  	s3 =	simm.s32 @!p0 $0x1082;
	s9 =	sld [smem:$0x3FAE]  }
0x2f: {  	lr =	sadd.s32 s0, s3;
	s0 =	sld [smem:$0x3FA5]  }
0x30: {  	s3 =	sld [smem:$0x3FA8]  }
0x31: {  	[smem:$0x3FB1] =	sst s10  }
0x32: {  	s10 =	sld [smem:$0x3FAF];
	_ =	sdelay $0x3  }
0x33: {  	p0 =	seq.s32 s10, $0x1;
	s10 =	sld [smem:$0x3FB1];
	_ =	sdelay $0x3  }
0x34: {  	[smem:$0x3FB1] =	sst s10  }
0x35: {  	s10 =	sld [smem:$0x3FB0];
	_ =	sdelay $0x3  }
0x36: {  	p1 =	seq.s32 s10, $0x1;
	s10 =	sld [smem:$0x3FB1];
	_ =	sdelay $0x3  }
0x37: {  	[smem:$0x3FB1] =	sst s10  }
0x38: {  	s10 =	sld [smem:$0x3FB2]  }
0x39: {  	_ = 	snop;
	(pc) =	sbr.ind lr, $3  }
0x3a: {  	_ = 	snop  }
0x3b: {  	_ = 	snop  }
0x3c: {  	p2 =	seq.s32 s10, $0x1;
	s10 =	sld [smem:$0x3FB1]  }
0x3d: {  	_ =	shalt  }
0x3e: {  	_ =	shalt  }
0x3f: {  	_ =	shalt  }
0x40: {  	_ =	shalt  }
0x41: {  	_ =	shalt  }
0x42: {  	_ =	shalt  }
0x43: {  	_ =	shalt  }
0x44: {  	_ =	shalt  }
0x45: {  	_ =	shalt  }
0x46: {  	_ =	shalt  }
0x47: {  	_ =	shalt  }
0x48: {  	_ =	shalt  }
0x49: {  	_ =	shalt  }
0x4a: {  	_ =	shalt  }
0x4b: {  	_ =	shalt  }
0x4c: {  	_ =	shalt  }
0x4d: {  	_ =	shalt  }
0x4e: {  	_ =	shalt  }
0x4f: {  	_ =	shalt  }
0x50: {  	_ =	shalt  }
0x51: {  	_ =	shalt  }
0x52: {  	_ =	shalt  }
0x53: {  	_ =	shalt  }
0x54: {  	_ =	shalt  }
0x55: {  	_ =	shalt  }
0x56: {  	_ =	shalt  }
0x57: {  	_ =	shalt  }
0x58: {  	_ =	shalt  }
0x59: {  	_ =	shalt  }
0x5a: {  	_ =	shalt  }
0x5b: {  	_ =	shalt  }
0x5c: {  	_ =	shalt  }
0x5d: {  	_ =	shalt  }
0x5e: {  	_ =	shalt  }
0x5f: {  	_ =	shalt  }
0x60: {  	_ =	shalt  }
0x61: {  	_ =	shalt  }
0x62: {  	_ =	shalt  }
0x63: {  	_ =	shalt  }
0x64: {  	_ =	shalt  }
0x65: {  	_ =	shalt  }
0x66: {  	_ =	shalt  }
0x67: {  	_ =	shalt  }
0x68: {  	_ =	shalt  }
0x69: {  	_ =	shalt  }
0x6a: {  	_ =	shalt  }
0x6b: {  	_ =	shalt  }
0x6c: {  	_ =	shalt  }
0x6d: {  	_ =	shalt  }
0x6e: {  	_ =	shalt  }
0x6f: {  	_ =	shalt  }
0x70: {  	_ =	shalt  }
0x71: {  	_ =	shalt  }
0x72: {  	_ =	shalt  }
0x73: {  	_ =	shalt  }
0x74: {  	_ =	shalt  }
0x75: {  	_ =	shalt  }
0x76: {  	_ =	shalt  }
0x77: {  	_ =	shalt  }
0x78: {  	_ =	shalt  }
0x79: {  	_ =	shalt  }
0x7a: {  	_ =	shalt  }
0x7b: {  	_ =	shalt  }
0x7c: {  	_ =	shalt  }
0x7d: {  	_ =	shalt  }
0x7e: {  	_ =	shalt  }
0x7f: {  	_ =	shalt  }
0x80: {  	_ =	shalt  }
0x81: {  	_ =	shalt  }
0x82: {  	_ =	shalt  }
0x83: {  	_ =	shalt  }
0x84: {  	_ =	shalt  }
0x85: {  	_ =	shalt  }
0x86: {  	_ =	shalt  }
0x87: {  	_ =	shalt  }
.Lfunc_end0:
.L_simem_size_0:
called_computation_lowered:
.L_overlay_start_0:
0x88: {  	s2 =	sld [smem:$0x3FD9]  }
0x89: {  	s3 =	sld [smem:$0x3FFE];
	_ =	sdelay $0x1  }
0x8a: {  	s1 =	srdreg.scid  }
0x8b: {  	s0 =	sand.u32 $0x1, s1  }
0x8c: {  	s16 =	sshll.u32 s0, $0xA;
	s2 =	sadd.s32 s3, s2  }
0x8d: {  	s2 =	sadd.s32 s2, s16  }
0x8e: {  	[smem:$0x3FBD] =	sst s2  }
0x8f: {  	_ = 	snop  }
0x90: {  	(tm) =	ssettm $0x1  }
0x91: {  	s17 =	sld [smem:$0x3FFB];
	_ =	sdelay $0x3  }
0x92: {  	_ =	strace s17  }
0x93: {  	s2 =	sld [smem:$0x3FFC];
	_ =	sdelay $0x3  }
0x94: {  	_ =	strace s2  }
0x95: {  	s2 =	sld [smem:$0x3FFD];
	_ =	sdelay $0x3  }
0x96: {  	_ =	strace s2  }
0x97: {  	_ =	strace $0x8FFFFFFF  }
0x98: {  	s18 =	sld [smem:$0x3FDB];
	_ =	sdelay $0x1  }
0x99: {  	s19 =	simm.s32 $_scs_section_size  }
0x9a: {  	s4 =	simm.s32 $_size__tile_overlayer_lowered;
	s5 =	simm.s32 $_tile_overlayer_lowered  }
0x9b: {  	s22 =	simm.s32 $0x1BFF;
	s21 =	sshll.u32 s5, $0x1;
	s2 =	sadd.s32 s19, s18  }
0x9c: {  	s6 =	simm.s32 $0x0;
	s20 =	sshll.u32 s4, $0x1;
	s4 =	sadd.s32 s21, s2  }
0x9d: {  	[timem:s6], [sflag:s22] =	dma.local [hbm:s4], s20  }
0x9e: {  	_ =	swait.ge [sflag:s22], s20  }
0x9f: {  	s3 =	ssub.s32 $0x0, s20;
	[sflag:s22] =	ssyncset.done $0x0  }
0xa0: {  	[sflag:s22] =	ssyncadd.s32 s3;
	_ =	sdelay $0x1  }
0xa1: {  	s23 =	simm.s32 $0x1B8B  }
0xa2: {  	_ =	swait.ge [sflag:s23], $0x1  }
0xa3: {  	[sflag:s23] =	ssyncset.done $0x0  }
0xa4: {  	s25 =	simm.s32 $0x1B8E;
	s24 =	sld [smem:$0x3FFE];
	[sflag:s23] =	ssyncadd.s32 $0xFFFFFFFF  }
0xa5: {  	s26 =	simm.s32 $execute0_lowered;
	[smem:$0x3FD2] =	sst s25  }
0xa6: {  	s4 =	sshll.u32 s26, $0x1;
	_ =	strace $0x80000046;
	[dreg:$0x1] =	wrdreg $0xFFFFFFFF  }
0xa7: {  	s28 =	simm.s32 $_size_execute0_lowered;
	s2 =	sadd.s32 s2, s4;
	[dreg:$0x0] =	wrdreg $0x0  }
0xa8: {  	s4 =	sshll.u32 s28, $0x1;
	[dreg:$0x2] =	wrdreg s2  }
0xa9: {  	[dreg:$0x3] =	wrdreg s4  }
0xaa: {  	[dreg:$0x4] =	wrdreg $0xC0  }
0xab: {  	_ =	task [dreg:s6], $0x5FFFF  }
0xac: {  	[dreg:$0x1] =	wrdreg $0xFFFFFFFF  }
0xad: {  	[dreg:$0x0] =	wrdreg $0x60  }
0xae: {  	[dreg:$0x2] =	wrdreg s24  }
0xaf: {  	[dreg:$0x3] =	wrdreg $0x9  }
0xb0: {  	_ =	task.clear_ibuf [dreg:s6], $0x4FFFF;
	_ =	strace $0x90000046  }
0xb1: {  	s29 =	simm.s32 $0x9;
	_ =	strace $0x80000048  }
0xb2: {  	_ =	swait.ge [sflag:s29], $0x1  }
0xb3: {  	[sflag:s29] =	ssyncadd.s32 $0xFFFFFFFF  }
0xb4: {  	_ =	strace $0x90000048  }
0xb5: {  	_ =	sfence  }
0xb6: {  	s30 =	sld [smem:$0x0];
	_ =	sdelay $0x2  }
0xb7: {  	s31 =	sshll.u32 s1, $0xD;
	s1 =	sshrl.u32 s1, $0x2  }
0xb8: {  	s3 =	sand.u32 $0x4000, s31;
	s1 =	sadd.s32 s1, s30  }
0xb9: {  	s0 =	sor.u32 s3, s0;
	s1 =	sshll.u32 s1, $0x11  }
0xba: {  	s0 =	sor.u32 s1, s0  }
0xbb: {  	s0 =	sadd.s32 $0x8F2B, s0  }
0xbc: {  	[sflag:s0] =	ssyncadd.remote.s32 $0x1  }
0xbd: {  	_ =	sfence.sel $0xFFFF  }
0xbe: {  	[dreg:$0x0] =	wrdreg $0xFFFFFFFF;
	(pc) =	sbr.abs _section_cstart, $3  }
0xbf: {  	[dreg:$0x1] =	wrdreg $0xFFFFFFFF  }
0xc0: {  	_ =	task.clear_ibuf [dreg:s6], $0x2FFFF;
	_ =	strace $0x9FFFFFFF  }
0xc1: {  	(tm) =	ssettm $0x7FFFFFFF  }
tec
execute0_lowered:
.L_overlay_start_1:
0x0: {  	(tag) =	ssettag $0x1  }
0x1: {  	s0 =	srdreg.scid  }
0x2: {  	s5 =	rddreg [dreg:$0x0];
	s3 =	sand.u32 $0x1, s0  }
0x3: {  	s2 =	simm.s32 $0x0;
	s0 =	stileid.u32;
	s1 =	sshll.u32 s3, $0x4  }
0x4: {  	s8 =	simm.s32 $0x80;
	s9 =	simm.s32 $0x400;
	s4 =	sor.u32 s0, s1  }
0x5: {  	s10 =	simm.s32 $0x0;
	[smem:$0x7FF] =	sst s2;
	s1 =	sshrl.u32 s4, $0x3  }
0x6: {  	s7 =	sshll.u32 s0, $0x7;
	s3 =	ssub.s32 $0x2, s3;
	s6 =	smul.u32 $0x14000, s1  }
0x7: {  	s7 =	sand.u32 $0x380, s7;
	s31 =	sshrl.u32 s3, $0x1;
	s4 =	smul.u32 $0x4E2, s4  }
0x8: {  	s1 =	rddreg [dreg:$0x1];
	_ =	strace $0x80000047;
	s6 =	sor.u32 s7, s6  }
0x9: {  	s4 =	sadd.s32 s4, s5;
	s7 =	simm.s32 $0x1;
	s6 =	sshrl.u32 s6, $0x3  }
0xa: {  	s5 =	sadd.s32 s6, s5;
	s6 =	ssub.s32 s3, s31;
	s3 =	sadd.s32 $0x3000, s4  }
0xb: {  	v0 =	vimm.f32 $0.0e+00;
	v1 =	vimm.f32 $1.000000000e+00;
	s4 =	sadd.s32 $0x16C00, s5;
	s5 =	smax.u32 s6, $0x1;
	s6 =	simm.s32 $0x2800  }
.LBB2_1:
0xc: {  	s11 =	simm.s32 $0x40;
	s12 =	simm.s32 $0x0  }
.LBB2_2:
0xd: {  	p0 =	sne.s32 s11, $0x9FC0;
	[tilespmem:s12+$0x0] =	vst v0;
	s12 =	smov.u32 s11;
	s11 =	sadd.s32 $0x40, s11  }
.Ltmp0:
0xe: {  	(pc) =	sbr.rel @p0 .LBB2_2-.Ltmp0, $2  }
0xf: {  	_ =	sdelay $0x2  }
0x10: {  	s12 =	sshra.s32 s12, $0x2  }
0x11: {  	[tilespmem:s12+$0x0] =	vst v0;
	s11 =	simm.s32 $0x0  }
0x12: {  	[tilespmem:s6], [sflag:$0x1] =	stream.linear.gather [hbm4b:s3+s11], $0x2710, $0x38;
	[tilespmem:$0x4F80] =	vst v63  }
0x13: {  	_ =	swait.ge [sflag:s7], $0x2710  }
0x14: {  	[sflag:s7] =	ssyncset.done $0x0  }
0x15: {  	s12 =	simm.s32 $0x0;
	s11 =	simm.s32 $0x40;
	[sflag:s7] =	ssyncadd.s32 $0xFFFFD8F0  }
.LBB2_4:
0x16: {  	p0 =	sne.s32 s11, $0x9C00;
	v2 =	vld [tilespmem:s12+$0x2800];
	_ =	sdelay $0x3  }
.Ltmp1:
0x17: {  	(pc) =	sbr.rel @p0 .LBB2_4-.Ltmp1, $2  }
0x18: {  	_ =	sdelay $0x2  }
0x19: {  	s12 =	sshra.s32 s11, $0x2;
	s11 =	sadd.s32 $0x40, s11;
	[tilespmem:v2+s2+$0x0] =	vst.idx.add.f32.msk $0xffff, v1  }
0x1a: {  	v2 =	vld [tilespmem:s12+$0x2800];
	_ =	sdelay $0x5  }
0x1b: {  	s10 =	sadd.s32 $0x1, s10  }
0x1c: {  	p0 =	sne.s32 s10, s5  }
.Ltmp2:
0x1d: {  	[tilespmem:v2+s2+$0x0] =	vst.idx.add.f32.msk $0xffff, v1;
	(pc) =	sbr.rel @p0 .LBB2_1-.Ltmp2, $4  }
0x1e: {  	[hbm4b:s4+s8] =	stream.strided.scatter [tilespmem:s2], [sflag:$0x1], $0x2800, s9, s8, $0x38;
	[tilespmem:$0x4F80] =	vst v63  }
0x1f: {  	_ =	swait.ge [sflag:s7], $0x2800  }
0x20: {  	[sflag:s7] =	ssyncset.done $0x0  }
0x21: {  	[sflag:s7] =	ssyncadd.s32 $0xFFFFD800  }
0x22: {  	_ =	sfence.sel $0x180000  }
0x23: {  	[bflag:$0x0] =	sbarrier.arrive $0xFFFF  }
0x24: {  	p0 =	sne.s32 s0, $0x0;
	_ =	strace $0x90000047  }
0x25: {  	s0 =	sadd.s32 @!p0 $0x100000, s1;
	[bflag:$0x2] =	sbarrier.arrive $0xFFFF  }
0x26: {  	[sflag:s0] =	ssyncadd.tile.s32 @!p0 $0x1;
	_ =	shalt  }
.Lfunc_end2:
_tile_overlayer_lowered:
.L_overlay_start_2:
0x27: {  	(tag) =	ssettag $0x2  }
0x28: {  	s0 =	rddreg [dreg:$0x0];
	s2 =	stileid.u32  }
0x29: {  	s1 =	rddreg [dreg:$0x1];
	p0 =	sne.s32 s2, $0x0  }
0x2a: {  	s3 =	rddreg [dreg:$0x2];
	[bflag:$0x3] =	sbarrier.arrive $0xFFFF;
	s2 =	simm.s32 @!p0 $0x1C01  }
0x2b: {  	[timem:s3], [sflag:s2] =	dma.local @!p0 [hbm:s0], s1  }
0x2c: {  	s0 =	simm.s32 @!p0 $0x1  }
0x2d: {  	_ =	swait.ge @!p0 [sflag:s0], s1  }
0x2e: {  	s1 =	ssub.s32 @!p0 $0x0, s1;
	[sflag:s0] =	ssyncset.done @!p0 $0x0  }
0x2f: {  	[sflag:s0] =	ssyncadd.s32 @!p0 s1  }
0x30: {  	[bflag:$0x3] =	sbarrier.arrive $0xFFFF  }
0x31: {  	_ =	shalt  }

// kernel: kernel.13.cloned.1.call-start
scs
__scs_entry_jumppad:
0x0: {  	(pc) =	sbr.rel $0x88, $3  }
0x1: {  	(tag) =	ssettag $0x0;
	lr =	simm.s32 $0x1  }
0x2: {  	[smem:$0x3F96] =	sst lr;
	_ =	strace $0xD0000000  }
0x3: {  	_ = 	snop  }
0x4: {  	_ = 	snop  }
0x5: {  	_ = 	snop  }
0x6: {  	_ = 	snop  }
0x7: {  	_ = 	snop  }
__scs_overlays_trampoline_lowered:
0x8: {  	[smem:$0x3FA5] =	sst s0  }
0x9: {  	[smem:$0x3FA6] =	sst s1  }
0xa: {  	[smem:$0x3FA7] =	sst s2  }
0xb: {  	[smem:$0x3FA8] =	sst s3  }
0xc: {  	[smem:$0x3FA9] =	sst s4  }
0xd: {  	[smem:$0x3FAA] =	sst s5  }
0xe: {  	[smem:$0x3FAB] =	sst s6  }
0xf: {  	[smem:$0x3FAC] =	sst s7  }
0x10: {  	[smem:$0x3FAD] =	sst s8  }
0x11: {  	[smem:$0x3FAE] =	sst s9;
	s0 =	simm.s32 @!p0 $0x0  }
0x12: {  	s1 =	sld [smem:$0x3F94];
	s0 =	simm.s32 @p0 $0x1  }
0x13: {  	[smem:$0x3FAF] =	sst s0;
	s0 =	simm.s32 @!p1 $0x0  }
0x14: {  	s2 =	sld [smem:$0x3F93];
	s0 =	simm.s32 @p1 $0x1  }
0x15: {  	[smem:$0x3FB0] =	sst s0;
	s0 =	simm.s32 @!p2 $0x0  }
0x16: {  	s3 =	sld [smem:$0x3FDB];
	s0 =	simm.s32 @p2 $0x1  }
0x17: {  	s4 =	simm.s32 $0x1BF5;
	[smem:$0x3FB2] =	sst s0  }
0x18: {  	s0 =	sld [smem:$0x3F95];
	_ =	swait.ge [sflag:s4], $0x0  }
0x19: {  	s7 =	sld [smem:$0x3F96]  }
0x1a: {  	s8 =	sadd.s32 $0xFFFFE003, lr  }
0x1b: {  	s9 =	sadd.s32 $0xFFFFFEF7, lr;
	s5 =	simm.s32 $0xFFFFFFFF;
	p2 =	slt.u32 s8, $0xFFFFF086  }
0x1c: {  	p1 =	slt.u32 s9, $0xF7A;
	s5 =	simm.s32 @!p2 $0x0  }
0x1d: {  	s5 =	simm.s32 @p1 $0x1;
	p0 =	seq.s32 s7, s2  }
0x1e: {  	s7 =	smul.u32 @!p0 $0xF7A, s2;
	p2 =	seq.s32 @!p0 s5, $0x0  }
0x1f: {  	s9 =	smul.u32 $0xF7A, s1;
	s8 =	simm.s32 @!p0 $0x1BF5;
	p2 =	por !p2, p0  }
0x20: {  	[sflag:s8] =	ssyncset.s32 @!p0 $0xFFFFF086;
	s6 =	sadd.s32 @!p0 s3, s7;
	s7 =	simm.s32 @!p0 $0x108  }
0x21: {  	s3 =	sadd.s32 s3, s9;
	s6 =	sadd.s32 @!p0 $0x88, s6;
	s7 =	simm.s32 @p2 $0x1082  }
0x22: {  	[simem:s7], [sflag:s8] =	dma.local @!p0 [hbm:s6], $0xF7A  }
0x23: {  	s9 =	sor.u32 $0xD0000000, s2;
	s6 =	simm.s32 $0x108;
	_ =	swait.ge @!p0 [sflag:s8], $0x0  }
0x24: {  	s3 =	sadd.s32 $0x88, s3;
	s6 =	simm.s32 @!p1 $0x1082;
	[sflag:s4] =	ssyncset.s32 $0xFFFFF086  }
0x25: {  	[simem:s6], [sflag:s4] =	dma.local [hbm:s3], $0xF7A  }
0x26: {  	[smem:$0x3F96] =	sst s1;
	(tag) =	ssettag s2;
	_ =	strace s9  }
0x27: {  	s1 =	sld [smem:$0x3FA6]  }
0x28: {  	s2 =	sld [smem:$0x3FA7]  }
0x29: {  	s4 =	sld [smem:$0x3FA9]  }
0x2a: {  	p0 =	seq.s32 s5, $0x0;
	s5 =	sld [smem:$0x3FAA]  }
0x2b: {  	s6 =	sld [smem:$0x3FAB]  }
0x2c: {  	s7 =	sld [smem:$0x3FAC]  }
0x2d: {  	s3 =	simm.s32 $0x108;
	s8 =	sld [smem:$0x3FAD]  }
0x2e: {  	s3 =	simm.s32 @!p0 $0x1082;
	s9 =	sld [smem:$0x3FAE]  }
0x2f: {  	lr =	sadd.s32 s0, s3;
	s0 =	sld [smem:$0x3FA5]  }
0x30: {  	s3 =	sld [smem:$0x3FA8]  }
0x31: {  	[smem:$0x3FB1] =	sst s10  }
0x32: {  	s10 =	sld [smem:$0x3FAF];
	_ =	sdelay $0x3  }
0x33: {  	p0 =	seq.s32 s10, $0x1;
	s10 =	sld [smem:$0x3FB1];
	_ =	sdelay $0x3  }
0x34: {  	[smem:$0x3FB1] =	sst s10  }
0x35: {  	s10 =	sld [smem:$0x3FB0];
	_ =	sdelay $0x3  }
0x36: {  	p1 =	seq.s32 s10, $0x1;
	s10 =	sld [smem:$0x3FB1];
	_ =	sdelay $0x3  }
0x37: {  	[smem:$0x3FB1] =	sst s10  }
0x38: {  	s10 =	sld [smem:$0x3FB2]  }
0x39: {  	_ = 	snop;
	(pc) =	sbr.ind lr, $3  }
0x3a: {  	_ = 	snop  }
0x3b: {  	_ = 	snop  }
0x3c: {  	p2 =	seq.s32 s10, $0x1;
	s10 =	sld [smem:$0x3FB1]  }
0x3d: {  	_ =	shalt  }
0x3e: {  	_ =	shalt  }
0x3f: {  	_ =	shalt  }
0x40: {  	_ =	shalt  }
0x41: {  	_ =	shalt  }
0x42: {  	_ =	shalt  }
0x43: {  	_ =	shalt  }
0x44: {  	_ =	shalt  }
0x45: {  	_ =	shalt  }
0x46: {  	_ =	shalt  }
0x47: {  	_ =	shalt  }
0x48: {  	_ =	shalt  }
0x49: {  	_ =	shalt  }
0x4a: {  	_ =	shalt  }
0x4b: {  	_ =	shalt  }
0x4c: {  	_ =	shalt  }
0x4d: {  	_ =	shalt  }
0x4e: {  	_ =	shalt  }
0x4f: {  	_ =	shalt  }
0x50: {  	_ =	shalt  }
0x51: {  	_ =	shalt  }
0x52: {  	_ =	shalt  }
0x53: {  	_ =	shalt  }
0x54: {  	_ =	shalt  }
0x55: {  	_ =	shalt  }
0x56: {  	_ =	shalt  }
0x57: {  	_ =	shalt  }
0x58: {  	_ =	shalt  }
0x59: {  	_ =	shalt  }
0x5a: {  	_ =	shalt  }
0x5b: {  	_ =	shalt  }
0x5c: {  	_ =	shalt  }
0x5d: {  	_ =	shalt  }
0x5e: {  	_ =	shalt  }
0x5f: {  	_ =	shalt  }
0x60: {  	_ =	shalt  }
0x61: {  	_ =	shalt  }
0x62: {  	_ =	shalt  }
0x63: {  	_ =	shalt  }
0x64: {  	_ =	shalt  }
0x65: {  	_ =	shalt  }
0x66: {  	_ =	shalt  }
0x67: {  	_ =	shalt  }
0x68: {  	_ =	shalt  }
0x69: {  	_ =	shalt  }
0x6a: {  	_ =	shalt  }
0x6b: {  	_ =	shalt  }
0x6c: {  	_ =	shalt  }
0x6d: {  	_ =	shalt  }
0x6e: {  	_ =	shalt  }
0x6f: {  	_ =	shalt  }
0x70: {  	_ =	shalt  }
0x71: {  	_ =	shalt  }
0x72: {  	_ =	shalt  }
0x73: {  	_ =	shalt  }
0x74: {  	_ =	shalt  }
0x75: {  	_ =	shalt  }
0x76: {  	_ =	shalt  }
0x77: {  	_ =	shalt  }
0x78: {  	_ =	shalt  }
0x79: {  	_ =	shalt  }
0x7a: {  	_ =	shalt  }
0x7b: {  	_ =	shalt  }
0x7c: {  	_ =	shalt  }
0x7d: {  	_ =	shalt  }
0x7e: {  	_ =	shalt  }
0x7f: {  	_ =	shalt  }
0x80: {  	_ =	shalt  }
0x81: {  	_ =	shalt  }
0x82: {  	_ =	shalt  }
0x83: {  	_ =	shalt  }
0x84: {  	_ =	shalt  }
0x85: {  	_ =	shalt  }
0x86: {  	_ =	shalt  }
0x87: {  	_ =	shalt  }
.Lfunc_end0:
.L_simem_size_0:
called_computation.1_lowered:
.L_overlay_start_0:
0x88: {  	s2 =	sld [smem:$0x3FD9]  }
0x89: {  	s3 =	sld [smem:$0x3FFE];
	_ =	sdelay $0x1  }
0x8a: {  	s1 =	srdreg.scid  }
0x8b: {  	s0 =	sand.u32 $0x1, s1  }
0x8c: {  	s17 =	sshll.u32 s0, $0xA;
	s2 =	sadd.s32 s3, s2  }
0x8d: {  	s2 =	sadd.s32 s2, s17  }
0x8e: {  	[smem:$0x3FBD] =	sst s2  }
0x8f: {  	_ = 	snop  }
0x90: {  	s2 =	sld [smem:$0x3FD0];
	(tm) =	ssettm $0x1  }
0x91: {  	s18 =	sld [smem:$0x3FFB];
	_ =	sdelay $0x3  }
0x92: {  	_ =	strace s18  }
0x93: {  	s3 =	sld [smem:$0x3FFC];
	_ =	sdelay $0x3  }
0x94: {  	_ =	strace s3  }
0x95: {  	s3 =	sld [smem:$0x3FFD];
	_ =	sdelay $0x3  }
0x96: {  	_ =	strace s3  }
0x97: {  	_ =	strace $0x8FFFFFFF  }
0x98: {  	s19 =	sld [smem:$0x3FDB];
	_ =	sdelay $0x1  }
0x99: {  	s4 =	simm.s32 $_scs_section_size  }
0x9a: {  	s5 =	simm.s32 $_size__tile_overlayer_lowered;
	s6 =	simm.s32 $_tile_overlayer_lowered  }
0x9b: {  	s22 =	simm.s32 $0x1BFF;
	s21 =	sshll.u32 s6, $0x1;
	s3 =	sadd.s32 s4, s19  }
0x9c: {  	s7 =	simm.s32 $0x0;
	s20 =	sshll.u32 s5, $0x1;
	s5 =	sadd.s32 s21, s3  }
0x9d: {  	[timem:s7], [sflag:s22] =	dma.local [hbm:s5], s20  }
0x9e: {  	_ =	swait.ge [sflag:s22], s20  }
0x9f: {  	s4 =	ssub.s32 $0x0, s20;
	[sflag:s22] =	ssyncset.done $0x0  }
0xa0: {  	[sflag:s22] =	ssyncadd.s32 s4;
	_ =	sdelay $0x1  }
0xa1: {  	s23 =	simm.s32 $0x1B8B  }
0xa2: {  	_ =	swait.ge [sflag:s23], $0x1  }
0xa3: {  	[sflag:s23] =	ssyncset.done $0x0  }
0xa4: {  	s25 =	simm.s32 $0x1B8E;
	s24 =	sld [smem:$0x3FFE];
	[sflag:s23] =	ssyncadd.s32 $0xFFFFFFFF  }
0xa5: {  	s26 =	simm.s32 $execute0_lowered;
	[smem:$0x3FD2] =	sst s25  }
0xa6: {  	s5 =	sshll.u32 s26, $0x1;
	_ =	strace $0x80000049;
	[dreg:$0x1] =	wrdreg $0xFFFFFFFF  }
0xa7: {  	s28 =	simm.s32 $_size_execute0_lowered;
	s3 =	sadd.s32 s3, s5;
	[dreg:$0x0] =	wrdreg $0x0  }
0xa8: {  	s5 =	sshll.u32 s28, $0x1;
	[dreg:$0x2] =	wrdreg s3  }
0xa9: {  	[dreg:$0x3] =	wrdreg s5  }
0xaa: {  	[dreg:$0x4] =	wrdreg $0xC0  }
0xab: {  	_ =	task [dreg:s7], $0x5FFFF  }
0xac: {  	[dreg:$0x1] =	wrdreg $0xFFFFFFFF  }
0xad: {  	[dreg:$0x0] =	wrdreg $0x60  }
0xae: {  	[dreg:$0x2] =	wrdreg s24  }
0xaf: {  	[dreg:$0x3] =	wrdreg s2  }
0xb0: {  	[dreg:$0x4] =	wrdreg $0x0  }
0xb1: {  	[dreg:$0x5] =	wrdreg $0x9  }
0xb2: {  	_ =	task.clear_ibuf [dreg:s7], $0x6FFFF;
	_ =	strace $0x90000049  }
0xb3: {  	s29 =	simm.s32 $0x9;
	_ =	strace $0x8000004B  }
0xb4: {  	_ =	swait.ge [sflag:s29], $0x1  }
0xb5: {  	[sflag:s29] =	ssyncadd.s32 $0xFFFFFFFF  }
0xb6: {  	_ =	strace $0x9000004B  }
0xb7: {  	_ =	sfence  }
0xb8: {  	s30 =	sld [smem:$0x0];
	_ =	sdelay $0x2  }
0xb9: {  	s31 =	sshll.u32 s1, $0xD;
	s1 =	sshrl.u32 s1, $0x2  }
0xba: {  	s3 =	sand.u32 $0x4000, s31;
	s1 =	sadd.s32 s1, s30  }
0xbb: {  	s0 =	sor.u32 s3, s0;
	s1 =	sshll.u32 s1, $0x11  }
0xbc: {  	s0 =	sor.u32 s1, s0  }
0xbd: {  	s0 =	sadd.s32 $0x8F2B, s0  }
0xbe: {  	[sflag:s0] =	ssyncadd.remote.s32 $0x1  }
0xbf: {  	_ =	sfence.sel $0xFFFF  }
0xc0: {  	[dreg:$0x0] =	wrdreg $0xFFFFFFFF;
	(pc) =	sbr.abs _section_cstart, $3  }
0xc1: {  	[dreg:$0x1] =	wrdreg $0xFFFFFFFF  }
0xc2: {  	_ =	task.clear_ibuf [dreg:s7], $0x2FFFF;
	_ =	strace $0x9FFFFFFF  }
0xc3: {  	(tm) =	ssettm $0x7FFFFFFF  }
tec
execute0_lowered:
.L_overlay_start_1:
0x0: {  	(tag) =	ssettag $0x1  }
0x1: {  	s5 =	rddreg [dreg:$0x0]  }
0x2: {  	s7 =	rddreg [dreg:$0x1]  }
0x3: {  	s2 =	rddreg [dreg:$0x2]  }
0x4: {  	s0 =	rddreg [dreg:$0x3];
	s3 =	simm.s32 $0x0;
	s1 =	stileid.u32  }
0x5: {  	s4 =	srdreg.scid;
	s16 =	simm.s32 $0x16780;
	s17 =	simm.s32 $0x50  }
0x6: {  	s18 =	simm.s32 $0x18F00;
	s19 =	simm.s32 $0x1B700;
	s20 =	simm.s32 $0x1  }
0x7: {  	s21 =	simm.s32 $0x2;
	s22 =	simm.s32 $0x18E40;
	s6 =	smul.u32 $0x4E20, s1  }
0x8: {  	s23 =	simm.s32 $0x0;
	[smem:$0x7FF] =	sst s3;
	s8 =	smul.u32 $0x2800, s1  }
0x9: {  	s9 =	sand.u32 $0x1, s4;
	s4 =	sadd.s32 $0x16C00, s5;
	s13 =	smul.u32 $0x50000, s1  }
0xa: {  	s31 =	sshll.u32 s1, $0x6;
	_ =	strace $0x8000004A;
	s11 =	smul.u32 $0x28000, s9  }
0xb: {  	s26 =	ssub.s32 $0x2, s9;
	s9 =	smul.u32 $0x4E200, s9;
	s10 =	sshrl.u32 s6, $0x3  }
0xc: {  	s12 =	sadd.s32 s8, s5;
	s28 =	sshrl.u32 s26, $0x1;
	s29 =	sshrl.u32 s13, $0x2  }
0xd: {  	s10 =	sadd.s32 s10, s5;
	s8 =	sadd.s32 s8, s11;
	s30 =	ssub.s32 s26, s28  }
0xe: {  	s15 =	sadd.s32 s29, s2;
	s6 =	sadd.s32 s6, s9;
	s14 =	sadd.s32 s8, s5  }
0xf: {  	s5 =	sadd.s32 $0x64E00, s12;
	s9 =	sshrl.u32 s6, $0x3;
	s6 =	sor.u32 $0x1C03, s31  }
0x10: {  	s8 =	sadd.s32 $0x3000, s10;
	s10 =	sadd.s32 $0x34E2, s10;
	s12 =	smax.u32 s30, $0x1  }
0x11: {  	s13 =	sshrl.u32 s15, $0x3;
	s15 =	simm.s32 $0x14000;
	s7 =	sadd.s32 s7, s9  }
0x12: {  	s11 =	sadd.s32 $0x8CE00, s14;
	s14 =	simm.s32 $0x3;
	s9 =	sadd.s32 $0x4E2, s7  }
.LBB2_1:
0x13: {  	[spmem:s13], [sflag:s6] =	dma.local [hbm:s5], $0x2800  }
0x14: {  	_ =	swait.ge [sflag:s14], $0x2800  }
0x15: {  	[sflag:s14] =	ssyncset.done $0x0  }
0x16: {  	[sflag:s14] =	ssyncadd.s32 $0xFFFFD800  }
0x17: {  	[bflag:$0x0] =	sbarrier.arrive $0xFFFF  }
0x18: {  	[tilespmem:s15], [sflag:$0x3] =	stream.linear.gather [hbm4b:s7+s3], $0x2710, $0x38;
	[tilespmem:$0x1DF00] =	vst v63  }
0x19: {  	_ =	swait.ge [sflag:s14], $0x2710  }
0x1a: {  	[sflag:s14] =	ssyncset.done $0x0  }
0x1b: {  	[sflag:s14] =	ssyncadd.s32 $0xFFFFD8F0  }
0x1c: {  	[tilespmem:s16], [sflag:$0x3] =	stream.linear.gather [hbm4b:s8+s3], $0x2710, $0x38;
	[tilespmem:$0x1DF00] =	vst v63  }
0x1d: {  	_ =	swait.ge [sflag:s14], $0x2710  }
0x1e: {  	[sflag:s14] =	ssyncset.done $0x0  }
0x1f: {  	[sflag:s14] =	ssyncadd.s32 $0xFFFFD8F0  }
0x20: {  	[tilespmem:s18], [sflag:$0x1] =	stream.indirect.gather [hbm4b:s4+s17], $0x80, s15, s17, $0xb8;
	[tilespmem:$0x1DF00] =	vst v63  }
0x21: {  	s24 =	simm.s32 $0x14050  }
0x22: {  	[tilespmem:s19], [sflag:$0x2] =	stream.indirect.gather [hbm4b:s4+s17], $0x80, s24, s17, $0xb8;
	[tilespmem:$0x1DF00] =	vst v63  }
0x23: {  	_ =	swait.ge [sflag:s20], $0x2800  }
0x24: {  	[sflag:s20] =	ssyncset.done $0x0  }
0x25: {  	s29 =	simm.s32 $0x16780;
	[sflag:s20] =	ssyncadd.s32 $0xFFFFD800  }
0x26: {  	[spmem:s2] =	stream.indirect.scatter.add.f32 [tilespmem:s18], [sflag:$0x3], $0x80, s29, s17, $0xb8;
	[tilespmem:$0x1DF00] =	vst v63  }
0x27: {  	_ =	swait.ge [sflag:s14], $0x2800  }
0x28: {  	[sflag:s14] =	ssyncset.done $0x0  }
0x29: {  	s30 =	simm.s32 $0x140A0;
	[sflag:s14] =	ssyncadd.s32 $0xFFFFD800  }
0x2a: {  	[tilespmem:s18], [sflag:$0x1] =	stream.indirect.gather [hbm4b:s4+s17], $0x80, s30, s17, $0xb8;
	[tilespmem:$0x1DF00] =	vst v63  }
0x2b: {  	_ =	swait.ge [sflag:s21], $0x2800  }
0x2c: {  	[sflag:s21] =	ssyncset.done $0x0  }
0x2d: {  	s31 =	simm.s32 $0x167D0;
	[sflag:s21] =	ssyncadd.s32 $0xFFFFD800  }
0x2e: {  	[spmem:s2] =	stream.indirect.scatter.add.f32 [tilespmem:s19], [sflag:$0x3], $0x80, s31, s17, $0xb8;
	[tilespmem:$0x1DF00] =	vst v63  }
0x2f: {  	_ =	swait.ge [sflag:s14], $0x2800  }
0x30: {  	s25 =	simm.s32 $0x500;
	s24 =	simm.s32 $0xA0;
	[sflag:s14] =	ssyncset.done $0x0  }
.LBB2_2:
0x31: {  	s26 =	sadd.s32 $0x14050, s24  }
0x32: {  	[sflag:s14] =	ssyncadd.s32 $0xFFFFD800;
	s28 =	smov.u32 s25;
	s29 =	sadd.s32 $0x280, s25  }
0x33: {  	[tilespmem:s19], [sflag:$0x2] =	stream.indirect.gather [hbm4b:s4+s17], $0x80, s26, s17, $0xb8;
	[tilespmem:$0x1DF00] =	vst v63  }
0x34: {  	p0 =	sne.s32 s25, $0x9880;
	_ =	swait.ge [sflag:s20], $0x2800  }
0x35: {  	[sflag:s20] =	ssyncset.done $0x0  }
0x36: {  	s25 =	sadd.s32 $0x16780, s24;
	[sflag:s20] =	ssyncadd.s32 $0xFFFFD800  }
0x37: {  	[spmem:s2] =	stream.indirect.scatter.add.f32 [tilespmem:s18], [sflag:$0x3], $0x80, s25, s17, $0xb8;
	[tilespmem:$0x1DF00] =	vst v63  }
0x38: {  	_ =	swait.ge [sflag:s14], $0x2800  }
0x39: {  	[sflag:s14] =	ssyncset.done $0x0  }
0x3a: {  	s25 =	sadd.s32 $0x140A0, s24;
	[sflag:s14] =	ssyncadd.s32 $0xFFFFD800  }
0x3b: {  	[tilespmem:s18], [sflag:$0x1] =	stream.indirect.gather [hbm4b:s4+s17], $0x80, s25, s17, $0xb8;
	[tilespmem:$0x1DF00] =	vst v63  }
0x3c: {  	_ =	swait.ge [sflag:s21], $0x2800  }
.Ltmp0:
0x3d: {  	[sflag:s21] =	ssyncset.done $0x0;
	(pc) =	sbr.rel @p0 .LBB2_2-.Ltmp0, $4  }
0x3e: {  	s24 =	sadd.s32 $0x167D0, s24;
	[sflag:s21] =	ssyncadd.s32 $0xFFFFD800  }
0x3f: {  	[spmem:s2] =	stream.indirect.scatter.add.f32 [tilespmem:s19], [sflag:$0x3], $0x80, s24, s17, $0xb8;
	[tilespmem:$0x1DF00] =	vst v63  }
0x40: {  	_ =	swait.ge [sflag:s14], $0x2800  }
0x41: {  	s25 =	smov.u32 s29;
	s24 =	sshra.s32 s28, $0x2;
	[sflag:s14] =	ssyncset.done $0x0  }
0x42: {  	s25 =	sadd.s32 $0x14050, s24;
	[sflag:s14] =	ssyncadd.s32 $0xFFFFD800  }
0x43: {  	[tilespmem:s19], [sflag:$0x2] =	stream.indirect.gather [hbm4b:s4+s17], $0x80, s25, s17, $0xb8;
	[tilespmem:$0x1DF00] =	vst v63  }
0x44: {  	_ =	swait.ge [sflag:s20], $0x2800  }
0x45: {  	[sflag:s20] =	ssyncset.done $0x0  }
0x46: {  	s30 =	sadd.s32 $0x16780, s24;
	[sflag:s20] =	ssyncadd.s32 $0xFFFFD800  }
0x47: {  	[spmem:s2] =	stream.indirect.scatter.add.f32 [tilespmem:s18], [sflag:$0x3], $0x80, s30, s17, $0xb8;
	[tilespmem:$0x1DF00] =	vst v63  }
0x48: {  	_ =	swait.ge [sflag:s14], $0x2800  }
0x49: {  	[sflag:s14] =	ssyncset.done $0x0  }
0x4a: {  	s31 =	sadd.s32 $0x140A0, s24;
	[sflag:s14] =	ssyncadd.s32 $0xFFFFD800  }
0x4b: {  	[tilespmem:s18], [sflag:$0x1] =	stream.indirect.gather [hbm4b:s4+s17], $0x80, s31, s17, $0xb8;
	[tilespmem:$0x1DF00] =	vst v63  }
0x4c: {  	_ =	swait.ge [sflag:s21], $0x2800  }
0x4d: {  	[sflag:s21] =	ssyncset.done $0x0  }
0x4e: {  	s25 =	sadd.s32 $0x167D0, s24;
	[sflag:s21] =	ssyncadd.s32 $0xFFFFD800  }
0x4f: {  	[spmem:s2] =	stream.indirect.scatter.add.f32 [tilespmem:s19], [sflag:$0x3], $0x80, s25, s17, $0xb8;
	[tilespmem:$0x1DF00] =	vst v63  }
0x50: {  	_ =	swait.ge [sflag:s14], $0x2800  }
0x51: {  	[sflag:s14] =	ssyncset.done $0x0  }
0x52: {  	[sflag:s14] =	ssyncadd.s32 $0xFFFFD800  }
0x53: {  	_ =	swait.ge [sflag:s20], $0x2800  }
0x54: {  	[sflag:s20] =	ssyncset.done $0x0  }
0x55: {  	[sflag:s20] =	ssyncadd.s32 $0xFFFFD800  }
0x56: {  	[spmem:s2] =	stream.indirect.scatter.add.f32 [tilespmem:s18], [sflag:$0x3], $0x80, s22, s17, $0xb8;
	[tilespmem:$0x1DF00] =	vst v63  }
0x57: {  	_ =	swait.ge [sflag:s14], $0x2800  }
0x58: {  	[sflag:s14] =	ssyncset.done $0x0  }
0x59: {  	s26 =	simm.s32 $0x0;
	[sflag:s14] =	ssyncadd.s32 $0xFFFFD800  }
0x5a: {  	[tilespmem:s15], [sflag:$0x3] =	stream.linear.gather [hbm4b:s9+s26], $0x2710, $0x38;
	[tilespmem:$0x1DF00] =	vst v63  }
0x5b: {  	_ =	swait.ge [sflag:s14], $0x2710  }
0x5c: {  	[sflag:s14] =	ssyncset.done $0x0  }
0x5d: {  	[sflag:s14] =	ssyncadd.s32 $0xFFFFD8F0  }
0x5e: {  	[tilespmem:s16], [sflag:$0x3] =	stream.linear.gather [hbm4b:s10+s26], $0x2710, $0x38;
	[tilespmem:$0x1DF00] =	vst v63  }
0x5f: {  	_ =	swait.ge [sflag:s14], $0x2710  }
0x60: {  	[sflag:s14] =	ssyncset.done $0x0  }
0x61: {  	[sflag:s14] =	ssyncadd.s32 $0xFFFFD8F0  }
0x62: {  	[tilespmem:s18], [sflag:$0x1] =	stream.indirect.gather [hbm4b:s4+s17], $0x80, s15, s17, $0xb8;
	[tilespmem:$0x1DF00] =	vst v63  }
0x63: {  	s28 =	simm.s32 $0x14050  }
0x64: {  	[tilespmem:s19], [sflag:$0x2] =	stream.indirect.gather [hbm4b:s4+s17], $0x80, s28, s17, $0xb8;
	[tilespmem:$0x1DF00] =	vst v63  }
0x65: {  	_ =	swait.ge [sflag:s20], $0x2800  }
0x66: {  	[sflag:s20] =	ssyncset.done $0x0  }
0x67: {  	s29 =	simm.s32 $0x16780;
	[sflag:s20] =	ssyncadd.s32 $0xFFFFD800  }
0x68: {  	[spmem:s2] =	stream.indirect.scatter.add.f32 [tilespmem:s18], [sflag:$0x3], $0x80, s29, s17, $0xb8;
	[tilespmem:$0x1DF00] =	vst v63  }
0x69: {  	_ =	swait.ge [sflag:s14], $0x2800  }
0x6a: {  	[sflag:s14] =	ssyncset.done $0x0  }
0x6b: {  	s30 =	simm.s32 $0x140A0;
	[sflag:s14] =	ssyncadd.s32 $0xFFFFD800  }
0x6c: {  	[tilespmem:s18], [sflag:$0x1] =	stream.indirect.gather [hbm4b:s4+s17], $0x80, s30, s17, $0xb8;
	[tilespmem:$0x1DF00] =	vst v63  }
0x6d: {  	_ =	swait.ge [sflag:s21], $0x2800  }
0x6e: {  	[sflag:s21] =	ssyncset.done $0x0  }
0x6f: {  	s31 =	simm.s32 $0x167D0;
	[sflag:s21] =	ssyncadd.s32 $0xFFFFD800  }
0x70: {  	[spmem:s2] =	stream.indirect.scatter.add.f32 [tilespmem:s19], [sflag:$0x3], $0x80, s31, s17, $0xb8;
	[tilespmem:$0x1DF00] =	vst v63  }
0x71: {  	_ =	swait.ge [sflag:s14], $0x2800  }
0x72: {  	s24 =	simm.s32 $0xA0;
	s25 =	simm.s32 $0x500;
	[sflag:s14] =	ssyncset.done $0x0  }
.LBB2_4:
0x73: {  	s26 =	sadd.s32 $0x14050, s24  }
0x74: {  	[sflag:s14] =	ssyncadd.s32 $0xFFFFD800;
	s28 =	smov.u32 s25;
	s29 =	sadd.s32 $0x280, s25  }
0x75: {  	[tilespmem:s19], [sflag:$0x2] =	stream.indirect.gather [hbm4b:s4+s17], $0x80, s26, s17, $0xb8;
	[tilespmem:$0x1DF00] =	vst v63  }
0x76: {  	p0 =	sne.s32 s25, $0x9880;
	_ =	swait.ge [sflag:s20], $0x2800  }
0x77: {  	[sflag:s20] =	ssyncset.done $0x0  }
0x78: {  	s25 =	sadd.s32 $0x16780, s24;
	[sflag:s20] =	ssyncadd.s32 $0xFFFFD800  }
0x79: {  	[spmem:s2] =	stream.indirect.scatter.add.f32 [tilespmem:s18], [sflag:$0x3], $0x80, s25, s17, $0xb8;
	[tilespmem:$0x1DF00] =	vst v63  }
0x7a: {  	_ =	swait.ge [sflag:s14], $0x2800  }
0x7b: {  	[sflag:s14] =	ssyncset.done $0x0  }
0x7c: {  	s25 =	sadd.s32 $0x140A0, s24;
	[sflag:s14] =	ssyncadd.s32 $0xFFFFD800  }
0x7d: {  	[tilespmem:s18], [sflag:$0x1] =	stream.indirect.gather [hbm4b:s4+s17], $0x80, s25, s17, $0xb8;
	[tilespmem:$0x1DF00] =	vst v63  }
0x7e: {  	_ =	swait.ge [sflag:s21], $0x2800  }
.Ltmp1:
0x7f: {  	[sflag:s21] =	ssyncset.done $0x0;
	(pc) =	sbr.rel @p0 .LBB2_4-.Ltmp1, $4  }
0x80: {  	s24 =	sadd.s32 $0x167D0, s24;
	[sflag:s21] =	ssyncadd.s32 $0xFFFFD800  }
0x81: {  	[spmem:s2] =	stream.indirect.scatter.add.f32 [tilespmem:s19], [sflag:$0x3], $0x80, s24, s17, $0xb8;
	[tilespmem:$0x1DF00] =	vst v63  }
0x82: {  	_ =	swait.ge [sflag:s14], $0x2800  }
0x83: {  	s25 =	smov.u32 s29;
	s24 =	sshra.s32 s28, $0x2;
	[sflag:s14] =	ssyncset.done $0x0  }
0x84: {  	s25 =	sadd.s32 $0x14050, s24;
	[sflag:s14] =	ssyncadd.s32 $0xFFFFD800  }
0x85: {  	[tilespmem:s19], [sflag:$0x2] =	stream.indirect.gather [hbm4b:s4+s17], $0x80, s25, s17, $0xb8;
	[tilespmem:$0x1DF00] =	vst v63  }
0x86: {  	_ =	swait.ge [sflag:s20], $0x2800  }
0x87: {  	[sflag:s20] =	ssyncset.done $0x0  }
0x88: {  	s29 =	sadd.s32 $0x16780, s24;
	[sflag:s20] =	ssyncadd.s32 $0xFFFFD800  }
0x89: {  	[spmem:s2] =	stream.indirect.scatter.add.f32 [tilespmem:s18], [sflag:$0x3], $0x80, s29, s17, $0xb8;
	[tilespmem:$0x1DF00] =	vst v63  }
0x8a: {  	_ =	swait.ge [sflag:s14], $0x2800  }
0x8b: {  	[sflag:s14] =	ssyncset.done $0x0  }
0x8c: {  	s30 =	sadd.s32 $0x140A0, s24;
	[sflag:s14] =	ssyncadd.s32 $0xFFFFD800  }
0x8d: {  	[tilespmem:s18], [sflag:$0x1] =	stream.indirect.gather [hbm4b:s4+s17], $0x80, s30, s17, $0xb8;
	[tilespmem:$0x1DF00] =	vst v63  }
0x8e: {  	_ =	swait.ge [sflag:s21], $0x2800  }
0x8f: {  	[sflag:s21] =	ssyncset.done $0x0  }
0x90: {  	s31 =	sadd.s32 $0x167D0, s24;
	[sflag:s21] =	ssyncadd.s32 $0xFFFFD800  }
0x91: {  	[spmem:s2] =	stream.indirect.scatter.add.f32 [tilespmem:s19], [sflag:$0x3], $0x80, s31, s17, $0xb8;
	[tilespmem:$0x1DF00] =	vst v63  }
0x92: {  	_ =	swait.ge [sflag:s14], $0x2800  }
0x93: {  	[sflag:s14] =	ssyncset.done $0x0  }
0x94: {  	[sflag:s14] =	ssyncadd.s32 $0xFFFFD800  }
0x95: {  	_ =	swait.ge [sflag:s20], $0x2800  }
0x96: {  	[sflag:s20] =	ssyncset.done $0x0  }
0x97: {  	[sflag:s20] =	ssyncadd.s32 $0xFFFFD800  }
0x98: {  	[spmem:s2] =	stream.indirect.scatter.add.f32 [tilespmem:s18], [sflag:$0x3], $0x80, s22, s17, $0xb8;
	[tilespmem:$0x1DF00] =	vst v63  }
0x99: {  	_ =	swait.ge [sflag:s14], $0x2800  }
0x9a: {  	s23 =	sadd.s32 $0x1, s23;
	[sflag:s14] =	ssyncset.done $0x0  }
0x9b: {  	p0 =	sne.s32 s23, s12;
	[sflag:s14] =	ssyncadd.s32 $0xFFFFD800  }
.Ltmp2:
0x9c: {  	[bflag:$0x0] =	sbarrier.arrive $0xFFFF;
	(pc) =	sbr.rel @p0 .LBB2_1-.Ltmp2, $4  }
0x9d: {  	[hbm:s11], [sflag:s6] =	dma.local [spmem:s13], $0x2800  }
0x9e: {  	_ =	swait.ge [sflag:s14], $0x2800  }
0x9f: {  	[sflag:s14] =	ssyncset.done $0x0  }
0xa0: {  	[sflag:s14] =	ssyncadd.s32 $0xFFFFD800  }
0xa1: {  	_ =	sfence.sel $0x180000  }
0xa2: {  	[bflag:$0x0] =	sbarrier.arrive $0xFFFF  }
0xa3: {  	p0 =	sne.s32 s1, $0x0;
	_ =	strace $0x9000004A  }
0xa4: {  	s0 =	sadd.s32 @!p0 $0x100000, s0;
	[bflag:$0x2] =	sbarrier.arrive $0xFFFF  }
0xa5: {  	[sflag:s0] =	ssyncadd.tile.s32 @!p0 $0x1;
	_ =	shalt  }
.Lfunc_end2:
_tile_overlayer_lowered:
.L_overlay_start_2:
0xa6: {  	(tag) =	ssettag $0x2  }
0xa7: {  	s0 =	rddreg [dreg:$0x0];
	s2 =	stileid.u32  }
0xa8: {  	s1 =	rddreg [dreg:$0x1];
	p0 =	sne.s32 s2, $0x0  }
0xa9: {  	s3 =	rddreg [dreg:$0x2];
	[bflag:$0x3] =	sbarrier.arrive $0xFFFF;
	s2 =	simm.s32 @!p0 $0x1C03  }
0xaa: {  	[timem:s3], [sflag:s2] =	dma.local @!p0 [hbm:s0], s1  }
0xab: {  	s0 =	simm.s32 @!p0 $0x3  }
0xac: {  	_ =	swait.ge @!p0 [sflag:s0], s1  }
0xad: {  	s1 =	ssub.s32 @!p0 $0x0, s1;
	[sflag:s0] =	ssyncset.done @!p0 $0x0  }
0xae: {  	[sflag:s0] =	ssyncadd.s32 @!p0 s1  }
0xaf: {  	[bflag:$0x3] =	sbarrier.arrive $0xFFFF  }
0xb0: {  	_ =	shalt  }

// kernel: kernel.16.cloned.1.call-start
scs
__scs_entry_jumppad:
0x0: {  	(pc) =	sbr.rel $0x88, $3  }
0x1: {  	(tag) =	ssettag $0x0;
	lr =	simm.s32 $0x1  }
0x2: {  	[smem:$0x3F96] =	sst lr;
	_ =	strace $0xD0000000  }
0x3: {  	_ = 	snop  }
0x4: {  	_ = 	snop  }
0x5: {  	_ = 	snop  }
0x6: {  	_ = 	snop  }
0x7: {  	_ = 	snop  }
__scs_overlays_trampoline_lowered:
0x8: {  	[smem:$0x3FA5] =	sst s0  }
0x9: {  	[smem:$0x3FA6] =	sst s1  }
0xa: {  	[smem:$0x3FA7] =	sst s2  }
0xb: {  	[smem:$0x3FA8] =	sst s3  }
0xc: {  	[smem:$0x3FA9] =	sst s4  }
0xd: {  	[smem:$0x3FAA] =	sst s5  }
0xe: {  	[smem:$0x3FAB] =	sst s6  }
0xf: {  	[smem:$0x3FAC] =	sst s7  }
0x10: {  	[smem:$0x3FAD] =	sst s8  }
0x11: {  	[smem:$0x3FAE] =	sst s9;
	s0 =	simm.s32 @!p0 $0x0  }
0x12: {  	s1 =	sld [smem:$0x3F94];
	s0 =	simm.s32 @p0 $0x1  }
0x13: {  	[smem:$0x3FAF] =	sst s0;
	s0 =	simm.s32 @!p1 $0x0  }
0x14: {  	s2 =	sld [smem:$0x3F93];
	s0 =	simm.s32 @p1 $0x1  }
0x15: {  	[smem:$0x3FB0] =	sst s0;
	s0 =	simm.s32 @!p2 $0x0  }
0x16: {  	s3 =	sld [smem:$0x3FDB];
	s0 =	simm.s32 @p2 $0x1  }
0x17: {  	s4 =	simm.s32 $0x1BF5;
	[smem:$0x3FB2] =	sst s0  }
0x18: {  	s0 =	sld [smem:$0x3F95];
	_ =	swait.ge [sflag:s4], $0x0  }
0x19: {  	s7 =	sld [smem:$0x3F96]  }
0x1a: {  	s8 =	sadd.s32 $0xFFFFE003, lr  }
0x1b: {  	s9 =	sadd.s32 $0xFFFFFEF7, lr;
	s5 =	simm.s32 $0xFFFFFFFF;
	p2 =	slt.u32 s8, $0xFFFFF086  }
0x1c: {  	p1 =	slt.u32 s9, $0xF7A;
	s5 =	simm.s32 @!p2 $0x0  }
0x1d: {  	s5 =	simm.s32 @p1 $0x1;
	p0 =	seq.s32 s7, s2  }
0x1e: {  	s7 =	smul.u32 @!p0 $0xF7A, s2;
	p2 =	seq.s32 @!p0 s5, $0x0  }
0x1f: {  	s9 =	smul.u32 $0xF7A, s1;
	s8 =	simm.s32 @!p0 $0x1BF5;
	p2 =	por !p2, p0  }
0x20: {  	[sflag:s8] =	ssyncset.s32 @!p0 $0xFFFFF086;
	s6 =	sadd.s32 @!p0 s3, s7;
	s7 =	simm.s32 @!p0 $0x108  }
0x21: {  	s3 =	sadd.s32 s3, s9;
	s6 =	sadd.s32 @!p0 $0x88, s6;
	s7 =	simm.s32 @p2 $0x1082  }
0x22: {  	[simem:s7], [sflag:s8] =	dma.local @!p0 [hbm:s6], $0xF7A  }
0x23: {  	s9 =	sor.u32 $0xD0000000, s2;
	s6 =	simm.s32 $0x108;
	_ =	swait.ge @!p0 [sflag:s8], $0x0  }
0x24: {  	s3 =	sadd.s32 $0x88, s3;
	s6 =	simm.s32 @!p1 $0x1082;
	[sflag:s4] =	ssyncset.s32 $0xFFFFF086  }
0x25: {  	[simem:s6], [sflag:s4] =	dma.local [hbm:s3], $0xF7A  }
0x26: {  	[smem:$0x3F96] =	sst s1;
	(tag) =	ssettag s2;
	_ =	strace s9  }
0x27: {  	s1 =	sld [smem:$0x3FA6]  }
0x28: {  	s2 =	sld [smem:$0x3FA7]  }
0x29: {  	s4 =	sld [smem:$0x3FA9]  }
0x2a: {  	p0 =	seq.s32 s5, $0x0;
	s5 =	sld [smem:$0x3FAA]  }
0x2b: {  	s6 =	sld [smem:$0x3FAB]  }
0x2c: {  	s7 =	sld [smem:$0x3FAC]  }
0x2d: {  	s3 =	simm.s32 $0x108;
	s8 =	sld [smem:$0x3FAD]  }
0x2e: {  	s3 =	simm.s32 @!p0 $0x1082;
	s9 =	sld [smem:$0x3FAE]  }
0x2f: {  	lr =	sadd.s32 s0, s3;
	s0 =	sld [smem:$0x3FA5]  }
0x30: {  	s3 =	sld [smem:$0x3FA8]  }
0x31: {  	[smem:$0x3FB1] =	sst s10  }
0x32: {  	s10 =	sld [smem:$0x3FAF];
	_ =	sdelay $0x3  }
0x33: {  	p0 =	seq.s32 s10, $0x1;
	s10 =	sld [smem:$0x3FB1];
	_ =	sdelay $0x3  }
0x34: {  	[smem:$0x3FB1] =	sst s10  }
0x35: {  	s10 =	sld [smem:$0x3FB0];
	_ =	sdelay $0x3  }
0x36: {  	p1 =	seq.s32 s10, $0x1;
	s10 =	sld [smem:$0x3FB1];
	_ =	sdelay $0x3  }
0x37: {  	[smem:$0x3FB1] =	sst s10  }
0x38: {  	s10 =	sld [smem:$0x3FB2]  }
0x39: {  	_ = 	snop;
	(pc) =	sbr.ind lr, $3  }
0x3a: {  	_ = 	snop  }
0x3b: {  	_ = 	snop  }
0x3c: {  	p2 =	seq.s32 s10, $0x1;
	s10 =	sld [smem:$0x3FB1]  }
0x3d: {  	_ =	shalt  }
0x3e: {  	_ =	shalt  }
0x3f: {  	_ =	shalt  }
0x40: {  	_ =	shalt  }
0x41: {  	_ =	shalt  }
0x42: {  	_ =	shalt  }
0x43: {  	_ =	shalt  }
0x44: {  	_ =	shalt  }
0x45: {  	_ =	shalt  }
0x46: {  	_ =	shalt  }
0x47: {  	_ =	shalt  }
0x48: {  	_ =	shalt  }
0x49: {  	_ =	shalt  }
0x4a: {  	_ =	shalt  }
0x4b: {  	_ =	shalt  }
0x4c: {  	_ =	shalt  }
0x4d: {  	_ =	shalt  }
0x4e: {  	_ =	shalt  }
0x4f: {  	_ =	shalt  }
0x50: {  	_ =	shalt  }
0x51: {  	_ =	shalt  }
0x52: {  	_ =	shalt  }
0x53: {  	_ =	shalt  }
0x54: {  	_ =	shalt  }
0x55: {  	_ =	shalt  }
0x56: {  	_ =	shalt  }
0x57: {  	_ =	shalt  }
0x58: {  	_ =	shalt  }
0x59: {  	_ =	shalt  }
0x5a: {  	_ =	shalt  }
0x5b: {  	_ =	shalt  }
0x5c: {  	_ =	shalt  }
0x5d: {  	_ =	shalt  }
0x5e: {  	_ =	shalt  }
0x5f: {  	_ =	shalt  }
0x60: {  	_ =	shalt  }
0x61: {  	_ =	shalt  }
0x62: {  	_ =	shalt  }
0x63: {  	_ =	shalt  }
0x64: {  	_ =	shalt  }
0x65: {  	_ =	shalt  }
0x66: {  	_ =	shalt  }
0x67: {  	_ =	shalt  }
0x68: {  	_ =	shalt  }
0x69: {  	_ =	shalt  }
0x6a: {  	_ =	shalt  }
0x6b: {  	_ =	shalt  }
0x6c: {  	_ =	shalt  }
0x6d: {  	_ =	shalt  }
0x6e: {  	_ =	shalt  }
0x6f: {  	_ =	shalt  }
0x70: {  	_ =	shalt  }
0x71: {  	_ =	shalt  }
0x72: {  	_ =	shalt  }
0x73: {  	_ =	shalt  }
0x74: {  	_ =	shalt  }
0x75: {  	_ =	shalt  }
0x76: {  	_ =	shalt  }
0x77: {  	_ =	shalt  }
0x78: {  	_ =	shalt  }
0x79: {  	_ =	shalt  }
0x7a: {  	_ =	shalt  }
0x7b: {  	_ =	shalt  }
0x7c: {  	_ =	shalt  }
0x7d: {  	_ =	shalt  }
0x7e: {  	_ =	shalt  }
0x7f: {  	_ =	shalt  }
0x80: {  	_ =	shalt  }
0x81: {  	_ =	shalt  }
0x82: {  	_ =	shalt  }
0x83: {  	_ =	shalt  }
0x84: {  	_ =	shalt  }
0x85: {  	_ =	shalt  }
0x86: {  	_ =	shalt  }
0x87: {  	_ =	shalt  }
.Lfunc_end0:
.L_simem_size_0:
called_computation.2_lowered:
.L_overlay_start_0:
0x88: {  	s2 =	sld [smem:$0x3FD9]  }
0x89: {  	s3 =	sld [smem:$0x3FFE];
	_ =	sdelay $0x1  }
0x8a: {  	s1 =	srdreg.scid  }
0x8b: {  	s0 =	sand.u32 $0x1, s1  }
0x8c: {  	s17 =	sshll.u32 s0, $0xA;
	s2 =	sadd.s32 s3, s2  }
0x8d: {  	s2 =	sadd.s32 s2, s17  }
0x8e: {  	[smem:$0x3FBD] =	sst s2  }
0x8f: {  	_ = 	snop  }
0x90: {  	s2 =	sld [smem:$0x3FD0];
	(tm) =	ssettm $0x1  }
0x91: {  	s18 =	sld [smem:$0x3FFB];
	_ =	sdelay $0x3  }
0x92: {  	_ =	strace s18  }
0x93: {  	s3 =	sld [smem:$0x3FFC];
	_ =	sdelay $0x3  }
0x94: {  	_ =	strace s3  }
0x95: {  	s3 =	sld [smem:$0x3FFD];
	_ =	sdelay $0x3  }
0x96: {  	_ =	strace s3  }
0x97: {  	_ =	strace $0x8FFFFFFF  }
0x98: {  	s19 =	sld [smem:$0x3FDB];
	_ =	sdelay $0x1  }
0x99: {  	s4 =	simm.s32 $_scs_section_size  }
0x9a: {  	s5 =	simm.s32 $_size__tile_overlayer_lowered;
	s6 =	simm.s32 $_tile_overlayer_lowered  }
0x9b: {  	s22 =	simm.s32 $0x1BFF;
	s21 =	sshll.u32 s6, $0x1;
	s3 =	sadd.s32 s4, s19  }
0x9c: {  	s7 =	simm.s32 $0x0;
	s20 =	sshll.u32 s5, $0x1;
	s5 =	sadd.s32 s21, s3  }
0x9d: {  	[timem:s7], [sflag:s22] =	dma.local [hbm:s5], s20  }
0x9e: {  	_ =	swait.ge [sflag:s22], s20  }
0x9f: {  	s4 =	ssub.s32 $0x0, s20;
	[sflag:s22] =	ssyncset.done $0x0  }
0xa0: {  	[sflag:s22] =	ssyncadd.s32 s4;
	_ =	sdelay $0x1  }
0xa1: {  	s23 =	simm.s32 $0x1B8B  }
0xa2: {  	_ =	swait.ge [sflag:s23], $0x1  }
0xa3: {  	[sflag:s23] =	ssyncset.done $0x0  }
0xa4: {  	s25 =	simm.s32 $0x1B8E;
	s24 =	sld [smem:$0x3FFE];
	[sflag:s23] =	ssyncadd.s32 $0xFFFFFFFF  }
0xa5: {  	s26 =	simm.s32 $execute0_lowered;
	[smem:$0x3FD2] =	sst s25  }
0xa6: {  	s5 =	sshll.u32 s26, $0x1;
	_ =	strace $0x8000004C;
	[dreg:$0x1] =	wrdreg $0xFFFFFFFF  }
0xa7: {  	s28 =	simm.s32 $_size_execute0_lowered;
	s3 =	sadd.s32 s3, s5;
	[dreg:$0x0] =	wrdreg $0x0  }
0xa8: {  	s5 =	sshll.u32 s28, $0x1;
	[dreg:$0x2] =	wrdreg s3  }
0xa9: {  	[dreg:$0x3] =	wrdreg s5  }
0xaa: {  	[dreg:$0x4] =	wrdreg $0xC0  }
0xab: {  	_ =	task [dreg:s7], $0x5FFFF  }
0xac: {  	[dreg:$0x1] =	wrdreg $0xFFFFFFFF  }
0xad: {  	[dreg:$0x0] =	wrdreg $0x60  }
0xae: {  	[dreg:$0x2] =	wrdreg s2  }
0xaf: {  	[dreg:$0x3] =	wrdreg s24  }
0xb0: {  	[dreg:$0x4] =	wrdreg $0x0  }
0xb1: {  	[dreg:$0x5] =	wrdreg $0x9  }
0xb2: {  	_ =	task.clear_ibuf [dreg:s7], $0x6FFFF;
	_ =	strace $0x9000004C  }
0xb3: {  	s29 =	simm.s32 $0x9;
	_ =	strace $0x8000004E  }
0xb4: {  	_ =	swait.ge [sflag:s29], $0x1  }
0xb5: {  	[sflag:s29] =	ssyncadd.s32 $0xFFFFFFFF  }
0xb6: {  	_ =	strace $0x9000004E  }
0xb7: {  	_ =	sfence  }
0xb8: {  	s30 =	sld [smem:$0x0];
	_ =	sdelay $0x2  }
0xb9: {  	s31 =	sshll.u32 s1, $0xD;
	s1 =	sshrl.u32 s1, $0x2  }
0xba: {  	s3 =	sand.u32 $0x4000, s31;
	s1 =	sadd.s32 s1, s30  }
0xbb: {  	s0 =	sor.u32 s3, s0;
	s1 =	sshll.u32 s1, $0x11  }
0xbc: {  	s0 =	sor.u32 s1, s0  }
0xbd: {  	s0 =	sadd.s32 $0x8F2B, s0  }
0xbe: {  	[sflag:s0] =	ssyncadd.remote.s32 $0x1  }
0xbf: {  	_ =	sfence.sel $0xFFFF  }
0xc0: {  	[dreg:$0x0] =	wrdreg $0xFFFFFFFF;
	(pc) =	sbr.abs _section_cstart, $3  }
0xc1: {  	[dreg:$0x1] =	wrdreg $0xFFFFFFFF  }
0xc2: {  	_ =	task.clear_ibuf [dreg:s7], $0x2FFFF;
	_ =	strace $0x9FFFFFFF  }
0xc3: {  	(tm) =	ssettm $0x7FFFFFFF  }
tec
execute0_lowered:
.L_overlay_start_1:
0x0: {  	(tag) =	ssettag $0x1  }
0x1: {  	s1 =	rddreg [dreg:$0x0]  }
0x2: {  	s6 =	rddreg [dreg:$0x1]  }
0x3: {  	s0 =	srdreg.scid;
	s3 =	rddreg [dreg:$0x2]  }
0x4: {  	s4 =	simm.s32 $0x0;
	s14 =	simm.s32 $0x16780;
	s15 =	simm.s32 $0x50  }
0x5: {  	s16 =	simm.s32 $0x18F00;
	s17 =	simm.s32 $0x1B700;
	s18 =	simm.s32 $0x1  }
0x6: {  	s19 =	simm.s32 $0x2;
	s5 =	sand.u32 $0x1, s0;
	s0 =	stileid.u32  }
0x7: {  	s20 =	simm.s32 $0x18E40;
	s21 =	simm.s32 $0x0;
	s8 =	smul.u32 $0x2800, s0  }
0x8: {  	[smem:$0x7FF] =	sst s4;
	s2 =	sshll.u32 s5, $0x4;
	s9 =	smul.u32 $0x28000, s5  }
0x9: {  	s5 =	ssub.s32 $0x2, s5;
	s28 =	smul.u32 $0x50000, s0;
	s2 =	sor.u32 s0, s2  }
0xa: {  	s31 =	sshll.u32 s0, $0x6;
	s29 =	sshrl.u32 s5, $0x1;
	s7 =	smul.u32 $0x4E2, s2  }
0xb: {  	s2 =	rddreg [dreg:$0x3];
	_ =	strace $0x8000004D;
	s26 =	sadd.s32 s8, s9  }
0xc: {  	s8 =	sadd.s32 s8, s6;
	s12 =	ssub.s32 s5, s29;
	s30 =	sshrl.u32 s28, $0x2  }
0xd: {  	s11 =	sadd.s32 s26, s6;
	s13 =	sadd.s32 s30, s3;
	s5 =	sadd.s32 $0x64E00, s8  }
0xe: {  	s10 =	sadd.s32 s7, s6;
	s6 =	sor.u32 $0x1C03, s31;
	s9 =	sadd.s32 $0x8CE00, s11  }
0xf: {  	s11 =	sshrl.u32 s13, $0x3;
	s13 =	simm.s32 $0x14000;
	s7 =	sadd.s32 $0xCE00, s10  }
0x10: {  	s8 =	sadd.s32 $0x3000, s10;
	s10 =	smax.u32 s12, $0x1;
	s12 =	simm.s32 $0x3  }
.LBB2_1:
0x11: {  	[spmem:s11], [sflag:s6] =	dma.local [hbm:s5], $0x2800  }
0x12: {  	_ =	swait.ge [sflag:s12], $0x2800  }
0x13: {  	[sflag:s12] =	ssyncset.done $0x0  }
0x14: {  	[sflag:s12] =	ssyncadd.s32 $0xFFFFD800  }
0x15: {  	[bflag:$0x0] =	sbarrier.arrive $0xFFFF  }
0x16: {  	[tilespmem:s13], [sflag:$0x3] =	stream.linear.gather [hbm4b:s7+s4], $0x2710, $0x38;
	[tilespmem:$0x1DF00] =	vst v63  }
0x17: {  	_ =	swait.ge [sflag:s12], $0x2710  }
0x18: {  	[sflag:s12] =	ssyncset.done $0x0  }
0x19: {  	[sflag:s12] =	ssyncadd.s32 $0xFFFFD8F0  }
0x1a: {  	[tilespmem:s14], [sflag:$0x3] =	stream.linear.gather [hbm4b:s8+s4], $0x2710, $0x38;
	[tilespmem:$0x1DF00] =	vst v63  }
0x1b: {  	_ =	swait.ge [sflag:s12], $0x2710  }
0x1c: {  	[sflag:s12] =	ssyncset.done $0x0  }
0x1d: {  	[sflag:s12] =	ssyncadd.s32 $0xFFFFD8F0  }
0x1e: {  	[tilespmem:s16], [sflag:$0x1] =	stream.indirect.gather [hbm4b:s1+s15], $0x80, s13, s15, $0xb8;
	[tilespmem:$0x1DF00] =	vst v63  }
0x1f: {  	s22 =	simm.s32 $0x14050  }
0x20: {  	[tilespmem:s17], [sflag:$0x2] =	stream.indirect.gather [hbm4b:s1+s15], $0x80, s22, s15, $0xb8;
	[tilespmem:$0x1DF00] =	vst v63  }
0x21: {  	_ =	swait.ge [sflag:s18], $0x2800  }
0x22: {  	[sflag:s18] =	ssyncset.done $0x0  }
0x23: {  	s29 =	simm.s32 $0x16780;
	[sflag:s18] =	ssyncadd.s32 $0xFFFFD800  }
0x24: {  	[spmem:s3] =	stream.indirect.scatter.add.f32 [tilespmem:s16], [sflag:$0x3], $0x80, s29, s15, $0xb8;
	[tilespmem:$0x1DF00] =	vst v63  }
0x25: {  	_ =	swait.ge [sflag:s12], $0x2800  }
0x26: {  	[sflag:s12] =	ssyncset.done $0x0  }
0x27: {  	s30 =	simm.s32 $0x140A0;
	[sflag:s12] =	ssyncadd.s32 $0xFFFFD800  }
0x28: {  	[tilespmem:s16], [sflag:$0x1] =	stream.indirect.gather [hbm4b:s1+s15], $0x80, s30, s15, $0xb8;
	[tilespmem:$0x1DF00] =	vst v63  }
0x29: {  	_ =	swait.ge [sflag:s19], $0x2800  }
0x2a: {  	[sflag:s19] =	ssyncset.done $0x0  }
0x2b: {  	s31 =	simm.s32 $0x167D0;
	[sflag:s19] =	ssyncadd.s32 $0xFFFFD800  }
0x2c: {  	[spmem:s3] =	stream.indirect.scatter.add.f32 [tilespmem:s17], [sflag:$0x3], $0x80, s31, s15, $0xb8;
	[tilespmem:$0x1DF00] =	vst v63  }
0x2d: {  	_ =	swait.ge [sflag:s12], $0x2800  }
0x2e: {  	s23 =	simm.s32 $0x500;
	s22 =	simm.s32 $0xA0;
	[sflag:s12] =	ssyncset.done $0x0  }
.LBB2_2:
0x2f: {  	s24 =	sadd.s32 $0x14050, s22  }
0x30: {  	[sflag:s12] =	ssyncadd.s32 $0xFFFFD800;
	s25 =	smov.u32 s23;
	s26 =	sadd.s32 $0x280, s23  }
0x31: {  	[tilespmem:s17], [sflag:$0x2] =	stream.indirect.gather [hbm4b:s1+s15], $0x80, s24, s15, $0xb8;
	[tilespmem:$0x1DF00] =	vst v63  }
0x32: {  	p0 =	sne.s32 s23, $0x9880;
	_ =	swait.ge [sflag:s18], $0x2800  }
0x33: {  	[sflag:s18] =	ssyncset.done $0x0  }
0x34: {  	s23 =	sadd.s32 $0x16780, s22;
	[sflag:s18] =	ssyncadd.s32 $0xFFFFD800  }
0x35: {  	[spmem:s3] =	stream.indirect.scatter.add.f32 [tilespmem:s16], [sflag:$0x3], $0x80, s23, s15, $0xb8;
	[tilespmem:$0x1DF00] =	vst v63  }
0x36: {  	_ =	swait.ge [sflag:s12], $0x2800  }
0x37: {  	[sflag:s12] =	ssyncset.done $0x0  }
0x38: {  	s23 =	sadd.s32 $0x140A0, s22;
	[sflag:s12] =	ssyncadd.s32 $0xFFFFD800  }
0x39: {  	[tilespmem:s16], [sflag:$0x1] =	stream.indirect.gather [hbm4b:s1+s15], $0x80, s23, s15, $0xb8;
	[tilespmem:$0x1DF00] =	vst v63  }
0x3a: {  	_ =	swait.ge [sflag:s19], $0x2800  }
.Ltmp0:
0x3b: {  	[sflag:s19] =	ssyncset.done $0x0;
	(pc) =	sbr.rel @p0 .LBB2_2-.Ltmp0, $4  }
0x3c: {  	s22 =	sadd.s32 $0x167D0, s22;
	[sflag:s19] =	ssyncadd.s32 $0xFFFFD800  }
0x3d: {  	[spmem:s3] =	stream.indirect.scatter.add.f32 [tilespmem:s17], [sflag:$0x3], $0x80, s22, s15, $0xb8;
	[tilespmem:$0x1DF00] =	vst v63  }
0x3e: {  	_ =	swait.ge [sflag:s12], $0x2800  }
0x3f: {  	s23 =	smov.u32 s26;
	s22 =	sshra.s32 s25, $0x2;
	[sflag:s12] =	ssyncset.done $0x0  }
0x40: {  	s23 =	sadd.s32 $0x14050, s22;
	[sflag:s12] =	ssyncadd.s32 $0xFFFFD800  }
0x41: {  	[tilespmem:s17], [sflag:$0x2] =	stream.indirect.gather [hbm4b:s1+s15], $0x80, s23, s15, $0xb8;
	[tilespmem:$0x1DF00] =	vst v63  }
0x42: {  	_ =	swait.ge [sflag:s18], $0x2800  }
0x43: {  	[sflag:s18] =	ssyncset.done $0x0  }
0x44: {  	s29 =	sadd.s32 $0x16780, s22;
	[sflag:s18] =	ssyncadd.s32 $0xFFFFD800  }
0x45: {  	[spmem:s3] =	stream.indirect.scatter.add.f32 [tilespmem:s16], [sflag:$0x3], $0x80, s29, s15, $0xb8;
	[tilespmem:$0x1DF00] =	vst v63  }
0x46: {  	_ =	swait.ge [sflag:s12], $0x2800  }
0x47: {  	[sflag:s12] =	ssyncset.done $0x0  }
0x48: {  	s30 =	sadd.s32 $0x140A0, s22;
	[sflag:s12] =	ssyncadd.s32 $0xFFFFD800  }
0x49: {  	[tilespmem:s16], [sflag:$0x1] =	stream.indirect.gather [hbm4b:s1+s15], $0x80, s30, s15, $0xb8;
	[tilespmem:$0x1DF00] =	vst v63  }
0x4a: {  	_ =	swait.ge [sflag:s19], $0x2800  }
0x4b: {  	[sflag:s19] =	ssyncset.done $0x0  }
0x4c: {  	s31 =	sadd.s32 $0x167D0, s22;
	[sflag:s19] =	ssyncadd.s32 $0xFFFFD800  }
0x4d: {  	[spmem:s3] =	stream.indirect.scatter.add.f32 [tilespmem:s17], [sflag:$0x3], $0x80, s31, s15, $0xb8;
	[tilespmem:$0x1DF00] =	vst v63  }
0x4e: {  	_ =	swait.ge [sflag:s12], $0x2800  }
0x4f: {  	[sflag:s12] =	ssyncset.done $0x0  }
0x50: {  	[sflag:s12] =	ssyncadd.s32 $0xFFFFD800  }
0x51: {  	_ =	swait.ge [sflag:s18], $0x2800  }
0x52: {  	[sflag:s18] =	ssyncset.done $0x0  }
0x53: {  	[sflag:s18] =	ssyncadd.s32 $0xFFFFD800  }
0x54: {  	[spmem:s3] =	stream.indirect.scatter.add.f32 [tilespmem:s16], [sflag:$0x3], $0x80, s20, s15, $0xb8;
	[tilespmem:$0x1DF00] =	vst v63  }
0x55: {  	_ =	swait.ge [sflag:s12], $0x2800  }
0x56: {  	s21 =	sadd.s32 $0x1, s21;
	[sflag:s12] =	ssyncset.done $0x0  }
0x57: {  	p0 =	sne.s32 s21, s10;
	[sflag:s12] =	ssyncadd.s32 $0xFFFFD800  }
.Ltmp1:
0x58: {  	[bflag:$0x0] =	sbarrier.arrive $0xFFFF;
	(pc) =	sbr.rel @p0 .LBB2_1-.Ltmp1, $4  }
0x59: {  	[hbm:s9], [sflag:s6] =	dma.local [spmem:s11], $0x2800  }
0x5a: {  	_ =	swait.ge [sflag:s12], $0x2800  }
0x5b: {  	[sflag:s12] =	ssyncset.done $0x0  }
0x5c: {  	[sflag:s12] =	ssyncadd.s32 $0xFFFFD800  }
0x5d: {  	_ =	sfence.sel $0x180000  }
0x5e: {  	[bflag:$0x0] =	sbarrier.arrive $0xFFFF  }
0x5f: {  	p0 =	sne.s32 s0, $0x0;
	_ =	strace $0x9000004D  }
0x60: {  	s0 =	sadd.s32 @!p0 $0x100000, s2;
	[bflag:$0x2] =	sbarrier.arrive $0xFFFF  }
0x61: {  	[sflag:s0] =	ssyncadd.tile.s32 @!p0 $0x1;
	_ =	shalt  }
.Lfunc_end2:
_tile_overlayer_lowered:
.L_overlay_start_2:
0x62: {  	(tag) =	ssettag $0x2  }
0x63: {  	s0 =	rddreg [dreg:$0x0];
	s2 =	stileid.u32  }
0x64: {  	s1 =	rddreg [dreg:$0x1];
	p0 =	sne.s32 s2, $0x0  }
0x65: {  	s3 =	rddreg [dreg:$0x2];
	[bflag:$0x3] =	sbarrier.arrive $0xFFFF;
	s2 =	simm.s32 @!p0 $0x1C03  }
0x66: {  	[timem:s3], [sflag:s2] =	dma.local @!p0 [hbm:s0], s1  }
0x67: {  	s0 =	simm.s32 @!p0 $0x3  }
0x68: {  	_ =	swait.ge @!p0 [sflag:s0], s1  }
0x69: {  	s1 =	ssub.s32 @!p0 $0x0, s1;
	[sflag:s0] =	ssyncset.done @!p0 $0x0  }
0x6a: {  	[sflag:s0] =	ssyncadd.s32 @!p0 s1  }
0x6b: {  	[bflag:$0x3] =	sbarrier.arrive $0xFFFF  }
0x6c: {  	_ =	shalt  }

// kernel: kernel.19.cloned.1.call-start
scs
__scs_entry_jumppad:
0x0: {  	(pc) =	sbr.rel $0x88, $3  }
0x1: {  	(tag) =	ssettag $0x0;
	lr =	simm.s32 $0x1  }
0x2: {  	[smem:$0x3F96] =	sst lr;
	_ =	strace $0xD0000000  }
0x3: {  	_ = 	snop  }
0x4: {  	_ = 	snop  }
0x5: {  	_ = 	snop  }
0x6: {  	_ = 	snop  }
0x7: {  	_ = 	snop  }
__scs_overlays_trampoline_lowered:
0x8: {  	[smem:$0x3FA5] =	sst s0  }
0x9: {  	[smem:$0x3FA6] =	sst s1  }
0xa: {  	[smem:$0x3FA7] =	sst s2  }
0xb: {  	[smem:$0x3FA8] =	sst s3  }
0xc: {  	[smem:$0x3FA9] =	sst s4  }
0xd: {  	[smem:$0x3FAA] =	sst s5  }
0xe: {  	[smem:$0x3FAB] =	sst s6  }
0xf: {  	[smem:$0x3FAC] =	sst s7  }
0x10: {  	[smem:$0x3FAD] =	sst s8  }
0x11: {  	[smem:$0x3FAE] =	sst s9;
	s0 =	simm.s32 @!p0 $0x0  }
0x12: {  	s1 =	sld [smem:$0x3F94];
	s0 =	simm.s32 @p0 $0x1  }
0x13: {  	[smem:$0x3FAF] =	sst s0;
	s0 =	simm.s32 @!p1 $0x0  }
0x14: {  	s2 =	sld [smem:$0x3F93];
	s0 =	simm.s32 @p1 $0x1  }
0x15: {  	[smem:$0x3FB0] =	sst s0;
	s0 =	simm.s32 @!p2 $0x0  }
0x16: {  	s3 =	sld [smem:$0x3FDB];
	s0 =	simm.s32 @p2 $0x1  }
0x17: {  	s4 =	simm.s32 $0x1BF5;
	[smem:$0x3FB2] =	sst s0  }
0x18: {  	s0 =	sld [smem:$0x3F95];
	_ =	swait.ge [sflag:s4], $0x0  }
0x19: {  	s7 =	sld [smem:$0x3F96]  }
0x1a: {  	s8 =	sadd.s32 $0xFFFFE003, lr  }
0x1b: {  	s9 =	sadd.s32 $0xFFFFFEF7, lr;
	s5 =	simm.s32 $0xFFFFFFFF;
	p2 =	slt.u32 s8, $0xFFFFF086  }
0x1c: {  	p1 =	slt.u32 s9, $0xF7A;
	s5 =	simm.s32 @!p2 $0x0  }
0x1d: {  	s5 =	simm.s32 @p1 $0x1;
	p0 =	seq.s32 s7, s2  }
0x1e: {  	s7 =	smul.u32 @!p0 $0xF7A, s2;
	p2 =	seq.s32 @!p0 s5, $0x0  }
0x1f: {  	s9 =	smul.u32 $0xF7A, s1;
	s8 =	simm.s32 @!p0 $0x1BF5;
	p2 =	por !p2, p0  }
0x20: {  	[sflag:s8] =	ssyncset.s32 @!p0 $0xFFFFF086;
	s6 =	sadd.s32 @!p0 s3, s7;
	s7 =	simm.s32 @!p0 $0x108  }
0x21: {  	s3 =	sadd.s32 s3, s9;
	s6 =	sadd.s32 @!p0 $0x88, s6;
	s7 =	simm.s32 @p2 $0x1082  }
0x22: {  	[simem:s7], [sflag:s8] =	dma.local @!p0 [hbm:s6], $0xF7A  }
0x23: {  	s9 =	sor.u32 $0xD0000000, s2;
	s6 =	simm.s32 $0x108;
	_ =	swait.ge @!p0 [sflag:s8], $0x0  }
0x24: {  	s3 =	sadd.s32 $0x88, s3;
	s6 =	simm.s32 @!p1 $0x1082;
	[sflag:s4] =	ssyncset.s32 $0xFFFFF086  }
0x25: {  	[simem:s6], [sflag:s4] =	dma.local [hbm:s3], $0xF7A  }
0x26: {  	[smem:$0x3F96] =	sst s1;
	(tag) =	ssettag s2;
	_ =	strace s9  }
0x27: {  	s1 =	sld [smem:$0x3FA6]  }
0x28: {  	s2 =	sld [smem:$0x3FA7]  }
0x29: {  	s4 =	sld [smem:$0x3FA9]  }
0x2a: {  	p0 =	seq.s32 s5, $0x0;
	s5 =	sld [smem:$0x3FAA]  }
0x2b: {  	s6 =	sld [smem:$0x3FAB]  }
0x2c: {  	s7 =	sld [smem:$0x3FAC]  }
0x2d: {  	s3 =	simm.s32 $0x108;
	s8 =	sld [smem:$0x3FAD]  }
0x2e: {  	s3 =	simm.s32 @!p0 $0x1082;
	s9 =	sld [smem:$0x3FAE]  }
0x2f: {  	lr =	sadd.s32 s0, s3;
	s0 =	sld [smem:$0x3FA5]  }
0x30: {  	s3 =	sld [smem:$0x3FA8]  }
0x31: {  	[smem:$0x3FB1] =	sst s10  }
0x32: {  	s10 =	sld [smem:$0x3FAF];
	_ =	sdelay $0x3  }
0x33: {  	p0 =	seq.s32 s10, $0x1;
	s10 =	sld [smem:$0x3FB1];
	_ =	sdelay $0x3  }
0x34: {  	[smem:$0x3FB1] =	sst s10  }
0x35: {  	s10 =	sld [smem:$0x3FB0];
	_ =	sdelay $0x3  }
0x36: {  	p1 =	seq.s32 s10, $0x1;
	s10 =	sld [smem:$0x3FB1];
	_ =	sdelay $0x3  }
0x37: {  	[smem:$0x3FB1] =	sst s10  }
0x38: {  	s10 =	sld [smem:$0x3FB2]  }
0x39: {  	_ = 	snop;
	(pc) =	sbr.ind lr, $3  }
0x3a: {  	_ = 	snop  }
0x3b: {  	_ = 	snop  }
0x3c: {  	p2 =	seq.s32 s10, $0x1;
	s10 =	sld [smem:$0x3FB1]  }
0x3d: {  	_ =	shalt  }
0x3e: {  	_ =	shalt  }
0x3f: {  	_ =	shalt  }
0x40: {  	_ =	shalt  }
0x41: {  	_ =	shalt  }
0x42: {  	_ =	shalt  }
0x43: {  	_ =	shalt  }
0x44: {  	_ =	shalt  }
0x45: {  	_ =	shalt  }
0x46: {  	_ =	shalt  }
0x47: {  	_ =	shalt  }
0x48: {  	_ =	shalt  }
0x49: {  	_ =	shalt  }
0x4a: {  	_ =	shalt  }
0x4b: {  	_ =	shalt  }
0x4c: {  	_ =	shalt  }
0x4d: {  	_ =	shalt  }
0x4e: {  	_ =	shalt  }
0x4f: {  	_ =	shalt  }
0x50: {  	_ =	shalt  }
0x51: {  	_ =	shalt  }
0x52: {  	_ =	shalt  }
0x53: {  	_ =	shalt  }
0x54: {  	_ =	shalt  }
0x55: {  	_ =	shalt  }
0x56: {  	_ =	shalt  }
0x57: {  	_ =	shalt  }
0x58: {  	_ =	shalt  }
0x59: {  	_ =	shalt  }
0x5a: {  	_ =	shalt  }
0x5b: {  	_ =	shalt  }
0x5c: {  	_ =	shalt  }
0x5d: {  	_ =	shalt  }
0x5e: {  	_ =	shalt  }
0x5f: {  	_ =	shalt  }
0x60: {  	_ =	shalt  }
0x61: {  	_ =	shalt  }
0x62: {  	_ =	shalt  }
0x63: {  	_ =	shalt  }
0x64: {  	_ =	shalt  }
0x65: {  	_ =	shalt  }
0x66: {  	_ =	shalt  }
0x67: {  	_ =	shalt  }
0x68: {  	_ =	shalt  }
0x69: {  	_ =	shalt  }
0x6a: {  	_ =	shalt  }
0x6b: {  	_ =	shalt  }
0x6c: {  	_ =	shalt  }
0x6d: {  	_ =	shalt  }
0x6e: {  	_ =	shalt  }
0x6f: {  	_ =	shalt  }
0x70: {  	_ =	shalt  }
0x71: {  	_ =	shalt  }
0x72: {  	_ =	shalt  }
0x73: {  	_ =	shalt  }
0x74: {  	_ =	shalt  }
0x75: {  	_ =	shalt  }
0x76: {  	_ =	shalt  }
0x77: {  	_ =	shalt  }
0x78: {  	_ =	shalt  }
0x79: {  	_ =	shalt  }
0x7a: {  	_ =	shalt  }
0x7b: {  	_ =	shalt  }
0x7c: {  	_ =	shalt  }
0x7d: {  	_ =	shalt  }
0x7e: {  	_ =	shalt  }
0x7f: {  	_ =	shalt  }
0x80: {  	_ =	shalt  }
0x81: {  	_ =	shalt  }
0x82: {  	_ =	shalt  }
0x83: {  	_ =	shalt  }
0x84: {  	_ =	shalt  }
0x85: {  	_ =	shalt  }
0x86: {  	_ =	shalt  }
0x87: {  	_ =	shalt  }
.Lfunc_end0:
.L_simem_size_0:
called_computation.3_lowered:
.L_overlay_start_0:
0x88: {  	s2 =	sld [smem:$0x3FD9]  }
0x89: {  	s3 =	sld [smem:$0x3FFE];
	_ =	sdelay $0x1  }
0x8a: {  	s1 =	srdreg.scid  }
0x8b: {  	s0 =	sand.u32 $0x1, s1  }
0x8c: {  	s17 =	sshll.u32 s0, $0xA;
	s2 =	sadd.s32 s3, s2  }
0x8d: {  	s2 =	sadd.s32 s2, s17  }
0x8e: {  	[smem:$0x3FBD] =	sst s2  }
0x8f: {  	_ = 	snop  }
0x90: {  	s2 =	sld [smem:$0x3FD0];
	(tm) =	ssettm $0x1  }
0x91: {  	s18 =	sld [smem:$0x3FFB];
	_ =	sdelay $0x3  }
0x92: {  	_ =	strace s18  }
0x93: {  	s3 =	sld [smem:$0x3FFC];
	_ =	sdelay $0x3  }
0x94: {  	_ =	strace s3  }
0x95: {  	s3 =	sld [smem:$0x3FFD];
	_ =	sdelay $0x3  }
0x96: {  	_ =	strace s3  }
0x97: {  	_ =	strace $0x8FFFFFFF  }
0x98: {  	s19 =	sld [smem:$0x3FDB];
	_ =	sdelay $0x1  }
0x99: {  	s4 =	simm.s32 $_scs_section_size  }
0x9a: {  	s5 =	simm.s32 $_size__tile_overlayer_lowered;
	s6 =	simm.s32 $_tile_overlayer_lowered  }
0x9b: {  	s22 =	simm.s32 $0x1BFF;
	s21 =	sshll.u32 s6, $0x1;
	s3 =	sadd.s32 s4, s19  }
0x9c: {  	s7 =	simm.s32 $0x0;
	s20 =	sshll.u32 s5, $0x1;
	s5 =	sadd.s32 s21, s3  }
0x9d: {  	[timem:s7], [sflag:s22] =	dma.local [hbm:s5], s20  }
0x9e: {  	_ =	swait.ge [sflag:s22], s20  }
0x9f: {  	s4 =	ssub.s32 $0x0, s20;
	[sflag:s22] =	ssyncset.done $0x0  }
0xa0: {  	[sflag:s22] =	ssyncadd.s32 s4;
	_ =	sdelay $0x1  }
0xa1: {  	s23 =	simm.s32 $0x1B8B  }
0xa2: {  	_ =	swait.ge [sflag:s23], $0x1  }
0xa3: {  	[sflag:s23] =	ssyncset.done $0x0  }
0xa4: {  	s25 =	simm.s32 $0x1B8E;
	s24 =	sld [smem:$0x3FFE];
	[sflag:s23] =	ssyncadd.s32 $0xFFFFFFFF  }
0xa5: {  	s26 =	simm.s32 $execute0_lowered;
	[smem:$0x3FD2] =	sst s25  }
0xa6: {  	s5 =	sshll.u32 s26, $0x1;
	_ =	strace $0x8000004F;
	[dreg:$0x1] =	wrdreg $0xFFFFFFFF  }
0xa7: {  	s28 =	simm.s32 $_size_execute0_lowered;
	s3 =	sadd.s32 s3, s5;
	[dreg:$0x0] =	wrdreg $0x0  }
0xa8: {  	s5 =	sshll.u32 s28, $0x1;
	[dreg:$0x2] =	wrdreg s3  }
0xa9: {  	[dreg:$0x3] =	wrdreg s5  }
0xaa: {  	[dreg:$0x4] =	wrdreg $0xC0  }
0xab: {  	_ =	task [dreg:s7], $0x5FFFF  }
0xac: {  	[dreg:$0x1] =	wrdreg $0xFFFFFFFF  }
0xad: {  	[dreg:$0x0] =	wrdreg $0x60  }
0xae: {  	[dreg:$0x2] =	wrdreg s2  }
0xaf: {  	[dreg:$0x3] =	wrdreg s24  }
0xb0: {  	[dreg:$0x4] =	wrdreg $0x0  }
0xb1: {  	[dreg:$0x5] =	wrdreg $0x9  }
0xb2: {  	_ =	task.clear_ibuf [dreg:s7], $0x6FFFF;
	_ =	strace $0x9000004F  }
0xb3: {  	s29 =	simm.s32 $0x9;
	_ =	strace $0x80000051  }
0xb4: {  	_ =	swait.ge [sflag:s29], $0x1  }
0xb5: {  	[sflag:s29] =	ssyncadd.s32 $0xFFFFFFFF  }
0xb6: {  	_ =	strace $0x90000051  }
0xb7: {  	_ =	sfence  }
0xb8: {  	s30 =	sld [smem:$0x0];
	_ =	sdelay $0x2  }
0xb9: {  	s31 =	sshll.u32 s1, $0xD;
	s1 =	sshrl.u32 s1, $0x2  }
0xba: {  	s3 =	sand.u32 $0x4000, s31;
	s1 =	sadd.s32 s1, s30  }
0xbb: {  	s0 =	sor.u32 s3, s0;
	s1 =	sshll.u32 s1, $0x11  }
0xbc: {  	s0 =	sor.u32 s1, s0  }
0xbd: {  	s0 =	sadd.s32 $0x8F2B, s0  }
0xbe: {  	[sflag:s0] =	ssyncadd.remote.s32 $0x1  }
0xbf: {  	_ =	sfence.sel $0xFFFF  }
0xc0: {  	[dreg:$0x0] =	wrdreg $0xFFFFFFFF;
	(pc) =	sbr.abs _section_cstart, $3  }
0xc1: {  	[dreg:$0x1] =	wrdreg $0xFFFFFFFF  }
0xc2: {  	_ =	task.clear_ibuf [dreg:s7], $0x2FFFF;
	_ =	strace $0x9FFFFFFF  }
0xc3: {  	(tm) =	ssettm $0x7FFFFFFF  }
tec
execute0_lowered:
.L_overlay_start_1:
0x0: {  	(tag) =	ssettag $0x1  }
0x1: {  	s1 =	rddreg [dreg:$0x0]  }
0x2: {  	s6 =	rddreg [dreg:$0x1]  }
0x3: {  	s0 =	srdreg.scid;
	s3 =	rddreg [dreg:$0x2]  }
0x4: {  	s4 =	simm.s32 $0x0;
	s14 =	simm.s32 $0x16780;
	s15 =	simm.s32 $0x50  }
0x5: {  	s16 =	simm.s32 $0x18F00;
	s17 =	simm.s32 $0x1B700;
	s18 =	simm.s32 $0x1  }
0x6: {  	s19 =	simm.s32 $0x2;
	s5 =	sand.u32 $0x1, s0;
	s0 =	stileid.u32  }
0x7: {  	s20 =	simm.s32 $0x18E40;
	s21 =	simm.s32 $0x0;
	s8 =	smul.u32 $0x2800, s0  }
0x8: {  	[smem:$0x7FF] =	sst s4;
	s2 =	sshll.u32 s5, $0x4;
	s9 =	smul.u32 $0x28000, s5  }
0x9: {  	s5 =	ssub.s32 $0x2, s5;
	s28 =	smul.u32 $0x50000, s0;
	s2 =	sor.u32 s0, s2  }
0xa: {  	s31 =	sshll.u32 s0, $0x6;
	s29 =	sshrl.u32 s5, $0x1;
	s7 =	smul.u32 $0x4E2, s2  }
0xb: {  	s2 =	rddreg [dreg:$0x3];
	_ =	strace $0x80000050;
	s26 =	sadd.s32 s8, s9  }
0xc: {  	s8 =	sadd.s32 s8, s6;
	s12 =	ssub.s32 s5, s29;
	s30 =	sshrl.u32 s28, $0x2  }
0xd: {  	s11 =	sadd.s32 s26, s6;
	s13 =	sadd.s32 s30, s3;
	s5 =	sadd.s32 $0x64E00, s8  }
0xe: {  	s10 =	sadd.s32 s7, s6;
	s6 =	sor.u32 $0x1C03, s31;
	s9 =	sadd.s32 $0x8CE00, s11  }
0xf: {  	s11 =	sshrl.u32 s13, $0x3;
	s13 =	simm.s32 $0x14000;
	s7 =	sadd.s32 $0xCE00, s10  }
0x10: {  	s8 =	sadd.s32 $0x3000, s10;
	s10 =	smax.u32 s12, $0x1;
	s12 =	simm.s32 $0x3  }
.LBB2_1:
0x11: {  	[spmem:s11], [sflag:s6] =	dma.local [hbm:s5], $0x2800  }
0x12: {  	_ =	swait.ge [sflag:s12], $0x2800  }
0x13: {  	[sflag:s12] =	ssyncset.done $0x0  }
0x14: {  	[sflag:s12] =	ssyncadd.s32 $0xFFFFD800  }
0x15: {  	[bflag:$0x0] =	sbarrier.arrive $0xFFFF  }
0x16: {  	[tilespmem:s13], [sflag:$0x3] =	stream.linear.gather [hbm4b:s7+s4], $0x2710, $0x38;
	[tilespmem:$0x1DF00] =	vst v63  }
0x17: {  	_ =	swait.ge [sflag:s12], $0x2710  }
0x18: {  	[sflag:s12] =	ssyncset.done $0x0  }
0x19: {  	[sflag:s12] =	ssyncadd.s32 $0xFFFFD8F0  }
0x1a: {  	[tilespmem:s14], [sflag:$0x3] =	stream.linear.gather [hbm4b:s8+s4], $0x2710, $0x38;
	[tilespmem:$0x1DF00] =	vst v63  }
0x1b: {  	_ =	swait.ge [sflag:s12], $0x2710  }
0x1c: {  	[sflag:s12] =	ssyncset.done $0x0  }
0x1d: {  	[sflag:s12] =	ssyncadd.s32 $0xFFFFD8F0  }
0x1e: {  	[tilespmem:s16], [sflag:$0x1] =	stream.indirect.gather [hbm4b:s1+s15], $0x80, s13, s15, $0xb8;
	[tilespmem:$0x1DF00] =	vst v63  }
0x1f: {  	s22 =	simm.s32 $0x14050  }
0x20: {  	[tilespmem:s17], [sflag:$0x2] =	stream.indirect.gather [hbm4b:s1+s15], $0x80, s22, s15, $0xb8;
	[tilespmem:$0x1DF00] =	vst v63  }
0x21: {  	_ =	swait.ge [sflag:s18], $0x2800  }
0x22: {  	[sflag:s18] =	ssyncset.done $0x0  }
0x23: {  	s29 =	simm.s32 $0x16780;
	[sflag:s18] =	ssyncadd.s32 $0xFFFFD800  }
0x24: {  	[spmem:s3] =	stream.indirect.scatter.add.f32 [tilespmem:s16], [sflag:$0x3], $0x80, s29, s15, $0xb8;
	[tilespmem:$0x1DF00] =	vst v63  }
0x25: {  	_ =	swait.ge [sflag:s12], $0x2800  }
0x26: {  	[sflag:s12] =	ssyncset.done $0x0  }
0x27: {  	s30 =	simm.s32 $0x140A0;
	[sflag:s12] =	ssyncadd.s32 $0xFFFFD800  }
0x28: {  	[tilespmem:s16], [sflag:$0x1] =	stream.indirect.gather [hbm4b:s1+s15], $0x80, s30, s15, $0xb8;
	[tilespmem:$0x1DF00] =	vst v63  }
0x29: {  	_ =	swait.ge [sflag:s19], $0x2800  }
0x2a: {  	[sflag:s19] =	ssyncset.done $0x0  }
0x2b: {  	s31 =	simm.s32 $0x167D0;
	[sflag:s19] =	ssyncadd.s32 $0xFFFFD800  }
0x2c: {  	[spmem:s3] =	stream.indirect.scatter.add.f32 [tilespmem:s17], [sflag:$0x3], $0x80, s31, s15, $0xb8;
	[tilespmem:$0x1DF00] =	vst v63  }
0x2d: {  	_ =	swait.ge [sflag:s12], $0x2800  }
0x2e: {  	s23 =	simm.s32 $0x500;
	s22 =	simm.s32 $0xA0;
	[sflag:s12] =	ssyncset.done $0x0  }
.LBB2_2:
0x2f: {  	s24 =	sadd.s32 $0x14050, s22  }
0x30: {  	[sflag:s12] =	ssyncadd.s32 $0xFFFFD800;
	s25 =	smov.u32 s23;
	s26 =	sadd.s32 $0x280, s23  }
0x31: {  	[tilespmem:s17], [sflag:$0x2] =	stream.indirect.gather [hbm4b:s1+s15], $0x80, s24, s15, $0xb8;
	[tilespmem:$0x1DF00] =	vst v63  }
0x32: {  	p0 =	sne.s32 s23, $0x9880;
	_ =	swait.ge [sflag:s18], $0x2800  }
0x33: {  	[sflag:s18] =	ssyncset.done $0x0  }
0x34: {  	s23 =	sadd.s32 $0x16780, s22;
	[sflag:s18] =	ssyncadd.s32 $0xFFFFD800  }
0x35: {  	[spmem:s3] =	stream.indirect.scatter.add.f32 [tilespmem:s16], [sflag:$0x3], $0x80, s23, s15, $0xb8;
	[tilespmem:$0x1DF00] =	vst v63  }
0x36: {  	_ =	swait.ge [sflag:s12], $0x2800  }
0x37: {  	[sflag:s12] =	ssyncset.done $0x0  }
0x38: {  	s23 =	sadd.s32 $0x140A0, s22;
	[sflag:s12] =	ssyncadd.s32 $0xFFFFD800  }
0x39: {  	[tilespmem:s16], [sflag:$0x1] =	stream.indirect.gather [hbm4b:s1+s15], $0x80, s23, s15, $0xb8;
	[tilespmem:$0x1DF00] =	vst v63  }
0x3a: {  	_ =	swait.ge [sflag:s19], $0x2800  }
.Ltmp0:
0x3b: {  	[sflag:s19] =	ssyncset.done $0x0;
	(pc) =	sbr.rel @p0 .LBB2_2-.Ltmp0, $4  }
0x3c: {  	s22 =	sadd.s32 $0x167D0, s22;
	[sflag:s19] =	ssyncadd.s32 $0xFFFFD800  }
0x3d: {  	[spmem:s3] =	stream.indirect.scatter.add.f32 [tilespmem:s17], [sflag:$0x3], $0x80, s22, s15, $0xb8;
	[tilespmem:$0x1DF00] =	vst v63  }
0x3e: {  	_ =	swait.ge [sflag:s12], $0x2800  }
0x3f: {  	s23 =	smov.u32 s26;
	s22 =	sshra.s32 s25, $0x2;
	[sflag:s12] =	ssyncset.done $0x0  }
0x40: {  	s23 =	sadd.s32 $0x14050, s22;
	[sflag:s12] =	ssyncadd.s32 $0xFFFFD800  }
0x41: {  	[tilespmem:s17], [sflag:$0x2] =	stream.indirect.gather [hbm4b:s1+s15], $0x80, s23, s15, $0xb8;
	[tilespmem:$0x1DF00] =	vst v63  }
0x42: {  	_ =	swait.ge [sflag:s18], $0x2800  }
0x43: {  	[sflag:s18] =	ssyncset.done $0x0  }
0x44: {  	s29 =	sadd.s32 $0x16780, s22;
	[sflag:s18] =	ssyncadd.s32 $0xFFFFD800  }
0x45: {  	[spmem:s3] =	stream.indirect.scatter.add.f32 [tilespmem:s16], [sflag:$0x3], $0x80, s29, s15, $0xb8;
	[tilespmem:$0x1DF00] =	vst v63  }
0x46: {  	_ =	swait.ge [sflag:s12], $0x2800  }
0x47: {  	[sflag:s12] =	ssyncset.done $0x0  }
0x48: {  	s30 =	sadd.s32 $0x140A0, s22;
	[sflag:s12] =	ssyncadd.s32 $0xFFFFD800  }
0x49: {  	[tilespmem:s16], [sflag:$0x1] =	stream.indirect.gather [hbm4b:s1+s15], $0x80, s30, s15, $0xb8;
	[tilespmem:$0x1DF00] =	vst v63  }
0x4a: {  	_ =	swait.ge [sflag:s19], $0x2800  }
0x4b: {  	[sflag:s19] =	ssyncset.done $0x0  }
0x4c: {  	s31 =	sadd.s32 $0x167D0, s22;
	[sflag:s19] =	ssyncadd.s32 $0xFFFFD800  }
0x4d: {  	[spmem:s3] =	stream.indirect.scatter.add.f32 [tilespmem:s17], [sflag:$0x3], $0x80, s31, s15, $0xb8;
	[tilespmem:$0x1DF00] =	vst v63  }
0x4e: {  	_ =	swait.ge [sflag:s12], $0x2800  }
0x4f: {  	[sflag:s12] =	ssyncset.done $0x0  }
0x50: {  	[sflag:s12] =	ssyncadd.s32 $0xFFFFD800  }
0x51: {  	_ =	swait.ge [sflag:s18], $0x2800  }
0x52: {  	[sflag:s18] =	ssyncset.done $0x0  }
0x53: {  	[sflag:s18] =	ssyncadd.s32 $0xFFFFD800  }
0x54: {  	[spmem:s3] =	stream.indirect.scatter.add.f32 [tilespmem:s16], [sflag:$0x3], $0x80, s20, s15, $0xb8;
	[tilespmem:$0x1DF00] =	vst v63  }
0x55: {  	_ =	swait.ge [sflag:s12], $0x2800  }
0x56: {  	s21 =	sadd.s32 $0x1, s21;
	[sflag:s12] =	ssyncset.done $0x0  }
0x57: {  	p0 =	sne.s32 s21, s10;
	[sflag:s12] =	ssyncadd.s32 $0xFFFFD800  }
.Ltmp1:
0x58: {  	[bflag:$0x0] =	sbarrier.arrive $0xFFFF;
	(pc) =	sbr.rel @p0 .LBB2_1-.Ltmp1, $4  }
0x59: {  	[hbm:s9], [sflag:s6] =	dma.local [spmem:s11], $0x2800  }
0x5a: {  	_ =	swait.ge [sflag:s12], $0x2800  }
0x5b: {  	[sflag:s12] =	ssyncset.done $0x0  }
0x5c: {  	[sflag:s12] =	ssyncadd.s32 $0xFFFFD800  }
0x5d: {  	_ =	sfence.sel $0x180000  }
0x5e: {  	[bflag:$0x0] =	sbarrier.arrive $0xFFFF  }
0x5f: {  	p0 =	sne.s32 s0, $0x0;
	_ =	strace $0x90000050  }
0x60: {  	s0 =	sadd.s32 @!p0 $0x100000, s2;
	[bflag:$0x2] =	sbarrier.arrive $0xFFFF  }
0x61: {  	[sflag:s0] =	ssyncadd.tile.s32 @!p0 $0x1;
	_ =	shalt  }
.Lfunc_end2:
_tile_overlayer_lowered:
.L_overlay_start_2:
0x62: {  	(tag) =	ssettag $0x2  }
0x63: {  	s0 =	rddreg [dreg:$0x0];
	s2 =	stileid.u32  }
0x64: {  	s1 =	rddreg [dreg:$0x1];
	p0 =	sne.s32 s2, $0x0  }
0x65: {  	s3 =	rddreg [dreg:$0x2];
	[bflag:$0x3] =	sbarrier.arrive $0xFFFF;
	s2 =	simm.s32 @!p0 $0x1C03  }
0x66: {  	[timem:s3], [sflag:s2] =	dma.local @!p0 [hbm:s0], s1  }
0x67: {  	s0 =	simm.s32 @!p0 $0x3  }
0x68: {  	_ =	swait.ge @!p0 [sflag:s0], s1  }
0x69: {  	s1 =	ssub.s32 @!p0 $0x0, s1;
	[sflag:s0] =	ssyncset.done @!p0 $0x0  }
0x6a: {  	[sflag:s0] =	ssyncadd.s32 @!p0 s1  }
0x6b: {  	[bflag:$0x3] =	sbarrier.arrive $0xFFFF  }
0x6c: {  	_ =	shalt  }

</sc_bundles>
